<compile_context>
chip_gen: v7x
topology: tpu7x:2x2x1
jax: 0.10.2.dev20260603
libtpu: 0.0.44.dev20260713+nightly
codegen_flags: <defaults>
</compile_context>

<pallas_src>
import jax
import jax.numpy as jnp
from jax import lax
from jax.experimental import pallas as pl
from jax.experimental.pallas import tpu as pltpu
from jax.experimental.pallas import tpu_sc as plsc

_NUM_NODES = 200000
_H = 512
_W = 512
_BETA_F = 100.0

_PADH = 100352
_ROWS = _PADH // 128
_GRID = 2
_BLK = _ROWS // _GRID
_NC, _NS = 2, 16
_NW = _NC * _NS
_B = _H * _W
_BPW = _B // _NW
_RPW = _H // _NW
_LANES = 16


def _pack_table_body(t1, t2, t3, a1, a2, a3, lv, out):
    m = jnp.minimum(
        jnp.minimum(a1[...] - t1[0, 0], a2[...] - t2[0, 0]),
        a3[...] - t3[0, 0],
    )
    v = jax.nn.sigmoid(_BETA_F * m) * lv[...]
    bits = lax.bitcast_convert_type(v, jnp.int32)
    r = (bits + 0x7FFF + ((bits >> 16) & 1)) >> 16

    step = pl.program_id(0)

    @pl.when(step == 0)
    def _lo():
        out[...] = r

    @pl.when(step == 1)
    def _hi():
        out[...] = out[...] | (r << 16)


def _gather_body(table, idx, out, table_v, idx_v, vals_v, sem):
    wid = lax.axis_index("s") * _NC + lax.axis_index("c")

    @pl.when(wid < _NW // 2)
    def _active():
        chunk = _PADH // 8
        copies = [
            pltpu.make_async_copy(table.at[pl.ds(k * chunk, chunk)],
                                  table_v.at[pl.ds(k * chunk, chunk)], sem)
            for k in range(8)
        ]
        for c in copies:
            c.start()

        def idx_copy(sl):
            return pltpu.make_async_copy(idx.at[pl.ds(sl * _BPW, _BPW)],
                                         idx_v, sem)

        def out_copies(sl):
            return [
                pltpu.make_async_copy(vals_v.at[pl.ds(r * _W, _W)],
                                      out.at[sl * _RPW + r, :], sem)
                for r in range(_RPW)
            ]

        def gather_loop():
            @plsc.parallel_loop(0, _BPW // _LANES, 1, unroll=16)
            def _gather(i):
                off = i * _LANES
                iv = idx_v[pl.ds(off, _LANES)]
                hi = iv >= _PADH
                word_idx = iv - jnp.where(hi, _PADH, 0)
                w = plsc.load_gather(table_v, [word_idx])
                fbits = (w >> jnp.where(hi, 16, 0)) << 16
                vals_v[pl.ds(off, _LANES)] = plsc.bitcast(fbits, jnp.float32)

        sl_a = wid
        sl_b = wid + _NW // 2
        ca = idx_copy(sl_a)
        ca.start()
        for c in copies:
            c.wait()
        ca.wait()
        gather_loop()
        outs_a = out_copies(sl_a)
        for c in outs_a:
            c.start()
        cb = idx_copy(sl_b)
        cb.start()
        for c in outs_a:
            c.wait()
        cb.wait()
        gather_loop()
        outs_b = out_copies(sl_b)
        for c in outs_b:
            c.start()
        for c in outs_b:
            c.wait()


def kernel(a_scaled_1, a_scaled_2, a_scaled_3, thr_1, thr_2, thr_3,
           node_levels, pixel_to_node):
    t1 = thr_1.reshape(1, 1)
    t2 = thr_2.reshape(1, 1)
    t3 = thr_3.reshape(1, 1)

    smem = pl.BlockSpec((1, 1), lambda i: (0, 0), memory_space=pltpu.SMEM)
    blk = pl.BlockSpec((_PADH,), lambda i: (i,))
    table = pl.pallas_call(
        _pack_table_body,
        grid=(2,),
        out_shape=jax.ShapeDtypeStruct((_PADH,), jnp.int32),
        in_specs=[smem, smem, smem, blk, blk, blk, blk],
        out_specs=pl.BlockSpec((_PADH,), lambda i: (0,)),
    )(t1, t2, t3, a_scaled_1, a_scaled_2, a_scaled_3, node_levels)

    gk = pl.kernel(
        _gather_body,
        out_type=jax.ShapeDtypeStruct((_H, _W), jnp.float32),
        mesh=plsc.VectorSubcoreMesh(core_axis_name="c", subcore_axis_name="s"),
        compiler_params=pltpu.CompilerParams(needs_layout_passes=False),
        scratch_types=[
            pltpu.VMEM((_PADH,), jnp.int32),
            pltpu.VMEM((_BPW,), jnp.int32),
            pltpu.VMEM((_BPW,), jnp.float32),
            pltpu.SemaphoreType.DMA,
        ],
    )
    return gk(table, pixel_to_node)

# --- scband reference (transcript-rebuilt; emitter-appended) ---
"""Pipeline reference for scband-connected-filter-layer-by-thresholds-18339510354277 (READ-ONLY COPY).

The authoritative reference and input builder live on the scoring server;
editing this copy changes nothing except your own understanding.
"""

import jax, jax.numpy as jnp
import numpy as np

NUM_NODES = 200000
H = 512
W = 512
BETA_F = 100.0

def setup_inputs(seed: int = 0) -> dict:
    key = jax.random.key(seed)
    k1, k2, k3, k4, k5, k6, k7, k8 = jax.random.split(key, 8)
    a_scaled_1 = jax.random.uniform(k1, (NUM_NODES,), dtype=jnp.float32)
    a_scaled_2 = jax.random.uniform(k2, (NUM_NODES,), dtype=jnp.float32)
    a_scaled_3 = jax.random.uniform(k3, (NUM_NODES,), dtype=jnp.float32)
    thr_1 = jax.random.uniform(k4, (), dtype=jnp.float32)
    thr_2 = jax.random.uniform(k5, (), dtype=jnp.float32)
    thr_3 = jax.random.uniform(k6, (), dtype=jnp.float32)
    node_levels = jax.random.uniform(k7, (NUM_NODES,), dtype=jnp.float32)
    pixel_to_node = jax.random.randint(k8, (H * W,), 0, NUM_NODES, dtype=jnp.int64 if jax.config.jax_enable_x64 else jnp.int32)
    return {
        'a_scaled_1': a_scaled_1,
        'a_scaled_2': a_scaled_2,
        'a_scaled_3': a_scaled_3,
        'thr_1': thr_1,
        'thr_2': thr_2,
        'thr_3': thr_3,
        'node_levels': node_levels,
        'pixel_to_node': pixel_to_node,
    }

def reference(a_scaled_1, a_scaled_2, a_scaled_3, thr_1, thr_2, thr_3, node_levels, pixel_to_node):
    # Per-attribute margins m_k = a_k - tau_k (attributes already normalized)
    m1 = a_scaled_1 - thr_1
    m2 = a_scaled_2 - thr_2
    m3 = a_scaled_3 - thr_3
    # Group AND combination: min over attribute margins
    m_stack = jnp.stack([m1, m2, m3], axis=0)
    m_min = jnp.min(m_stack, axis=0)
    # Soft thresholding: sigma(beta_f * m_min); beta_f large approximates a hard step
    s = jax.nn.sigmoid(jnp.asarray(BETA_F, dtype=jnp.float32) * m_min)
    # Tree filtering (linearized stand-in for mtlearn C++ filtering):
    # each pixel reconstructs from its node's soft-kept gray-level contribution
    node_vals = s * node_levels
    y_pred = jnp.take(node_vals, pixel_to_node, axis=0).reshape(H, W)
    return y_pred

if __name__ == "__main__":
    import jax
    _d = setup_inputs()
    print(jax.jit(kernel)(*tuple(_d.values())))

</pallas_src>

<mosaic_0001>
#map = affine_map<(d0, d1) -> (0)>
#map1 = affine_map<(d0, d1) -> (0, 0)>
module attributes {stable_mosaic.version = 14 : i64} {
  func.func @_gather_body(%arg0: i32, %arg1: i32, %arg2: memref<100352xi32, #tpu.memory_space<hbm>>, %arg3: memref<262144xi32, #tpu.memory_space<hbm>>, %arg4: memref<512x512xf32, #tpu.memory_space<hbm>>, %arg5: memref<100352xi32, #tpu.memory_space<vmem>>, %arg6: memref<8192xi32, #tpu.memory_space<vmem>>, %arg7: memref<8192xf32, #tpu.memory_space<vmem>>, %arg8: memref<!tpu.dma_semaphore, #tpu.memory_space<semaphore_mem>>) attributes {dimension_semantics = [#tpu.dimension_semantics<core_parallel>, #tpu.dimension_semantics<subcore_parallel>], iteration_bounds = array<i64: 2, 16>, scalar_prefetch = 0 : i64, scratch_operands = 4 : i64, tpu.core_type = #tpu.core_type<sc_vector_subcore>, window_params = [{transform_indices = #map}, {transform_indices = #map}, {transform_indices = #map1}]} {
    %mul3A = arith.constant 2 : i32
    %mul3A_0 = arith.muli %arg1, %mul3A : i32
    %add3A = arith.addi %mul3A_0, %arg0 : i32
    %lt3A = arith.constant 16 : i32
    %lt3A_1 = arith.cmpi slt, %add3A, %lt3A : i32
    %convert_element_type3A = arith.extui %lt3A_1 : i1 to i32
    %cond3A = arith.constant 0 : i32
    %cond3A_2 = arith.cmpi ne, %convert_element_type3A, %cond3A : i32
    scf.if %cond3A_2 {
      %dma_start3A = arith.constant 0 : i32
      %dma_start3A_3 = tpu.memref_slice %arg5[%dma_start3A] : memref<100352xi32, #tpu.memory_space<vmem>> -> memref<12544xi32, #tpu.memory_space<vmem>>
      %dma_start3A_4 = arith.constant 0 : i32
      %dma_start3A_5 = tpu.memref_slice %arg2[%dma_start3A_4] : memref<100352xi32, #tpu.memory_space<hbm>> -> memref<12544xi32, #tpu.memory_space<hbm>>
      %dma_start3A_6 = arith.constant 0 : i32
      %dma_start3A_7 = tpu.memref_slice %arg5[%dma_start3A_6] : memref<100352xi32, #tpu.memory_space<vmem>> -> memref<12544xi32, #tpu.memory_space<vmem>>
      %dma_start3A_8 = arith.constant 0 : i32
      %dma_start3A_9 = tpu.memref_slice %arg2[%dma_start3A_8] : memref<100352xi32, #tpu.memory_space<hbm>> -> memref<12544xi32, #tpu.memory_space<hbm>>
      tpu.enqueue_dma source(%dma_start3A_9 : memref<12544xi32, #tpu.memory_space<hbm>>) target(%dma_start3A_7 : memref<12544xi32, #tpu.memory_space<vmem>>) target_semaphore(%arg8 : memref<!tpu.dma_semaphore, #tpu.memory_space<semaphore_mem>>)
      %dma_start3A_10 = arith.constant 12544 : i32
      %dma_start3A_11 = tpu.memref_slice %arg5[%dma_start3A_10] : memref<100352xi32, #tpu.memory_space<vmem>> -> memref<12544xi32, #tpu.memory_space<vmem>>
      %dma_start3A_12 = arith.constant 12544 : i32
      %dma_start3A_13 = tpu.memref_slice %arg2[%dma_start3A_12] : memref<100352xi32, #tpu.memory_space<hbm>> -> memref<12544xi32, #tpu.memory_space<hbm>>
      %dma_start3A_14 = arith.constant 12544 : i32
      %dma_start3A_15 = tpu.memref_slice %arg5[%dma_start3A_14] : memref<100352xi32, #tpu.memory_space<vmem>> -> memref<12544xi32, #tpu.memory_space<vmem>>
      %dma_start3A_16 = arith.constant 12544 : i32
      %dma_start3A_17 = tpu.memref_slice %arg2[%dma_start3A_16] : memref<100352xi32, #tpu.memory_space<hbm>> -> memref<12544xi32, #tpu.memory_space<hbm>>
      tpu.enqueue_dma source(%dma_start3A_17 : memref<12544xi32, #tpu.memory_space<hbm>>) target(%dma_start3A_15 : memref<12544xi32, #tpu.memory_space<vmem>>) target_semaphore(%arg8 : memref<!tpu.dma_semaphore, #tpu.memory_space<semaphore_mem>>)
      %dma_start3A_18 = arith.constant 25088 : i32
      %dma_start3A_19 = tpu.memref_slice %arg5[%dma_start3A_18] : memref<100352xi32, #tpu.memory_space<vmem>> -> memref<12544xi32, #tpu.memory_space<vmem>>
      %dma_start3A_20 = arith.constant 25088 : i32
      %dma_start3A_21 = tpu.memref_slice %arg2[%dma_start3A_20] : memref<100352xi32, #tpu.memory_space<hbm>> -> memref<12544xi32, #tpu.memory_space<hbm>>
      %dma_start3A_22 = arith.constant 25088 : i32
      %dma_start3A_23 = tpu.memref_slice %arg5[%dma_start3A_22] : memref<100352xi32, #tpu.memory_space<vmem>> -> memref<12544xi32, #tpu.memory_space<vmem>>
      %dma_start3A_24 = arith.constant 25088 : i32
      %dma_start3A_25 = tpu.memref_slice %arg2[%dma_start3A_24] : memref<100352xi32, #tpu.memory_space<hbm>> -> memref<12544xi32, #tpu.memory_space<hbm>>
      tpu.enqueue_dma source(%dma_start3A_25 : memref<12544xi32, #tpu.memory_space<hbm>>) target(%dma_start3A_23 : memref<12544xi32, #tpu.memory_space<vmem>>) target_semaphore(%arg8 : memref<!tpu.dma_semaphore, #tpu.memory_space<semaphore_mem>>)
      %dma_start3A_26 = arith.constant 37632 : i32
      %dma_start3A_27 = tpu.memref_slice %arg5[%dma_start3A_26] : memref<100352xi32, #tpu.memory_space<vmem>> -> memref<12544xi32, #tpu.memory_space<vmem>>
      %dma_start3A_28 = arith.constant 37632 : i32
      %dma_start3A_29 = tpu.memref_slice %arg2[%dma_start3A_28] : memref<100352xi32, #tpu.memory_space<hbm>> -> memref<12544xi32, #tpu.memory_space<hbm>>
      %dma_start3A_30 = arith.constant 37632 : i32
      %dma_start3A_31 = tpu.memref_slice %arg5[%dma_start3A_30] : memref<100352xi32, #tpu.memory_space<vmem>> -> memref<12544xi32, #tpu.memory_space<vmem>>
      %dma_start3A_32 = arith.constant 37632 : i32
      %dma_start3A_33 = tpu.memref_slice %arg2[%dma_start3A_32] : memref<100352xi32, #tpu.memory_space<hbm>> -> memref<12544xi32, #tpu.memory_space<hbm>>
      tpu.enqueue_dma source(%dma_start3A_33 : memref<12544xi32, #tpu.memory_space<hbm>>) target(%dma_start3A_31 : memref<12544xi32, #tpu.memory_space<vmem>>) target_semaphore(%arg8 : memref<!tpu.dma_semaphore, #tpu.memory_space<semaphore_mem>>)
      %dma_start3A_34 = arith.constant 50176 : i32
      %dma_start3A_35 = tpu.memref_slice %arg5[%dma_start3A_34] : memref<100352xi32, #tpu.memory_space<vmem>> -> memref<12544xi32, #tpu.memory_space<vmem>>
      %dma_start3A_36 = arith.constant 50176 : i32
      %dma_start3A_37 = tpu.memref_slice %arg2[%dma_start3A_36] : memref<100352xi32, #tpu.memory_space<hbm>> -> memref<12544xi32, #tpu.memory_space<hbm>>
      %dma_start3A_38 = arith.constant 50176 : i32
      %dma_start3A_39 = tpu.memref_slice %arg5[%dma_start3A_38] : memref<100352xi32, #tpu.memory_space<vmem>> -> memref<12544xi32, #tpu.memory_space<vmem>>
      %dma_start3A_40 = arith.constant 50176 : i32
      %dma_start3A_41 = tpu.memref_slice %arg2[%dma_start3A_40] : memref<100352xi32, #tpu.memory_space<hbm>> -> memref<12544xi32, #tpu.memory_space<hbm>>
      tpu.enqueue_dma source(%dma_start3A_41 : memref<12544xi32, #tpu.memory_space<hbm>>) target(%dma_start3A_39 : memref<12544xi32, #tpu.memory_space<vmem>>) target_semaphore(%arg8 : memref<!tpu.dma_semaphore, #tpu.memory_space<semaphore_mem>>)
      %dma_start3A_42 = arith.constant 62720 : i32
      %dma_start3A_43 = tpu.memref_slice %arg5[%dma_start3A_42] : memref<100352xi32, #tpu.memory_space<vmem>> -> memref<12544xi32, #tpu.memory_space<vmem>>
      %dma_start3A_44 = arith.constant 62720 : i32
      %dma_start3A_45 = tpu.memref_slice %arg2[%dma_start3A_44] : memref<100352xi32, #tpu.memory_space<hbm>> -> memref<12544xi32, #tpu.memory_space<hbm>>
      %dma_start3A_46 = arith.constant 62720 : i32
      %dma_start3A_47 = tpu.memref_slice %arg5[%dma_start3A_46] : memref<100352xi32, #tpu.memory_space<vmem>> -> memref<12544xi32, #tpu.memory_space<vmem>>
      %dma_start3A_48 = arith.constant 62720 : i32
      %dma_start3A_49 = tpu.memref_slice %arg2[%dma_start3A_48] : memref<100352xi32, #tpu.memory_space<hbm>> -> memref<12544xi32, #tpu.memory_space<hbm>>
      tpu.enqueue_dma source(%dma_start3A_49 : memref<12544xi32, #tpu.memory_space<hbm>>) target(%dma_start3A_47 : memref<12544xi32, #tpu.memory_space<vmem>>) target_semaphore(%arg8 : memref<!tpu.dma_semaphore, #tpu.memory_space<semaphore_mem>>)
      %dma_start3A_50 = arith.constant 75264 : i32
      %dma_start3A_51 = tpu.memref_slice %arg5[%dma_start3A_50] : memref<100352xi32, #tpu.memory_space<vmem>> -> memref<12544xi32, #tpu.memory_space<vmem>>
      %dma_start3A_52 = arith.constant 75264 : i32
      %dma_start3A_53 = tpu.memref_slice %arg2[%dma_start3A_52] : memref<100352xi32, #tpu.memory_space<hbm>> -> memref<12544xi32, #tpu.memory_space<hbm>>
      %dma_start3A_54 = arith.constant 75264 : i32
      %dma_start3A_55 = tpu.memref_slice %arg5[%dma_start3A_54] : memref<100352xi32, #tpu.memory_space<vmem>> -> memref<12544xi32, #tpu.memory_space<vmem>>
      %dma_start3A_56 = arith.constant 75264 : i32
      %dma_start3A_57 = tpu.memref_slice %arg2[%dma_start3A_56] : memref<100352xi32, #tpu.memory_space<hbm>> -> memref<12544xi32, #tpu.memory_space<hbm>>
      tpu.enqueue_dma source(%dma_start3A_57 : memref<12544xi32, #tpu.memory_space<hbm>>) target(%dma_start3A_55 : memref<12544xi32, #tpu.memory_space<vmem>>) target_semaphore(%arg8 : memref<!tpu.dma_semaphore, #tpu.memory_space<semaphore_mem>>)
      %dma_start3A_58 = arith.constant 87808 : i32
      %dma_start3A_59 = tpu.memref_slice %arg5[%dma_start3A_58] : memref<100352xi32, #tpu.memory_space<vmem>> -> memref<12544xi32, #tpu.memory_space<vmem>>
      %dma_start3A_60 = arith.constant 87808 : i32
      %dma_start3A_61 = tpu.memref_slice %arg2[%dma_start3A_60] : memref<100352xi32, #tpu.memory_space<hbm>> -> memref<12544xi32, #tpu.memory_space<hbm>>
      %dma_start3A_62 = arith.constant 87808 : i32
      %dma_start3A_63 = tpu.memref_slice %arg5[%dma_start3A_62] : memref<100352xi32, #tpu.memory_space<vmem>> -> memref<12544xi32, #tpu.memory_space<vmem>>
      %dma_start3A_64 = arith.constant 87808 : i32
      %dma_start3A_65 = tpu.memref_slice %arg2[%dma_start3A_64] : memref<100352xi32, #tpu.memory_space<hbm>> -> memref<12544xi32, #tpu.memory_space<hbm>>
      tpu.enqueue_dma source(%dma_start3A_65 : memref<12544xi32, #tpu.memory_space<hbm>>) target(%dma_start3A_63 : memref<12544xi32, #tpu.memory_space<vmem>>) target_semaphore(%arg8 : memref<!tpu.dma_semaphore, #tpu.memory_space<semaphore_mem>>)
      %add3A_66 = arith.constant 16 : i32
      %add3A_67 = arith.addi %add3A, %add3A_66 : i32
      %mul3A_68 = arith.constant 8192 : i32
      %mul3A_69 = arith.muli %add3A, %mul3A_68 : i32
      %dma_start3A_70 = tpu.memref_slice %arg3[%mul3A_69] : memref<262144xi32, #tpu.memory_space<hbm>> -> memref<8192xi32, #tpu.memory_space<hbm>>
      %dma_start3A_71 = tpu.memref_slice %arg3[%mul3A_69] : memref<262144xi32, #tpu.memory_space<hbm>> -> memref<8192xi32, #tpu.memory_space<hbm>>
      tpu.enqueue_dma source(%dma_start3A_71 : memref<8192xi32, #tpu.memory_space<hbm>>) target(%arg6 : memref<8192xi32, #tpu.memory_space<vmem>>) target_semaphore(%arg8 : memref<!tpu.dma_semaphore, #tpu.memory_space<semaphore_mem>>)
      %dma_wait3A = arith.constant 0 : i32
      %dma_wait3A_72 = tpu.memref_slice %arg5[%dma_wait3A] : memref<100352xi32, #tpu.memory_space<vmem>> -> memref<12544xi32, #tpu.memory_space<vmem>>
      %dma_wait3A_73 = arith.constant 0 : i32
      %dma_wait3A_74 = tpu.memref_slice %arg2[%dma_wait3A_73] : memref<100352xi32, #tpu.memory_space<hbm>> -> memref<12544xi32, #tpu.memory_space<hbm>>
      %dma_wait3A_75 = arith.constant 0 : i32
      %dma_wait3A_76 = tpu.memref_slice %arg5[%dma_wait3A_75] : memref<100352xi32, #tpu.memory_space<vmem>> -> memref<12544xi32, #tpu.memory_space<vmem>>
      %dma_wait3A_77 = arith.constant 0 : i32
      %dma_wait3A_78 = tpu.memref_slice %arg2[%dma_wait3A_77] : memref<100352xi32, #tpu.memory_space<hbm>> -> memref<12544xi32, #tpu.memory_space<hbm>>
      tpu.wait_dma2 semaphore(%arg8 : memref<!tpu.dma_semaphore, #tpu.memory_space<semaphore_mem>>) src(%dma_wait3A_78 : memref<12544xi32, #tpu.memory_space<hbm>>) dst(%dma_wait3A_76 : memref<12544xi32, #tpu.memory_space<vmem>>)
      %dma_wait3A_79 = arith.constant 12544 : i32
      %dma_wait3A_80 = tpu.memref_slice %arg5[%dma_wait3A_79] : memref<100352xi32, #tpu.memory_space<vmem>> -> memref<12544xi32, #tpu.memory_space<vmem>>
      %dma_wait3A_81 = arith.constant 12544 : i32
      %dma_wait3A_82 = tpu.memref_slice %arg2[%dma_wait3A_81] : memref<100352xi32, #tpu.memory_space<hbm>> -> memref<12544xi32, #tpu.memory_space<hbm>>
      %dma_wait3A_83 = arith.constant 12544 : i32
      %dma_wait3A_84 = tpu.memref_slice %arg5[%dma_wait3A_83] : memref<100352xi32, #tpu.memory_space<vmem>> -> memref<12544xi32, #tpu.memory_space<vmem>>
      %dma_wait3A_85 = arith.constant 12544 : i32
      %dma_wait3A_86 = tpu.memref_slice %arg2[%dma_wait3A_85] : memref<100352xi32, #tpu.memory_space<hbm>> -> memref<12544xi32, #tpu.memory_space<hbm>>
      tpu.wait_dma2 semaphore(%arg8 : memref<!tpu.dma_semaphore, #tpu.memory_space<semaphore_mem>>) src(%dma_wait3A_86 : memref<12544xi32, #tpu.memory_space<hbm>>) dst(%dma_wait3A_84 : memref<12544xi32, #tpu.memory_space<vmem>>)
      %dma_wait3A_87 = arith.constant 25088 : i32
      %dma_wait3A_88 = tpu.memref_slice %arg5[%dma_wait3A_87] : memref<100352xi32, #tpu.memory_space<vmem>> -> memref<12544xi32, #tpu.memory_space<vmem>>
      %dma_wait3A_89 = arith.constant 25088 : i32
      %dma_wait3A_90 = tpu.memref_slice %arg2[%dma_wait3A_89] : memref<100352xi32, #tpu.memory_space<hbm>> -> memref<12544xi32, #tpu.memory_space<hbm>>
      %dma_wait3A_91 = arith.constant 25088 : i32
      %dma_wait3A_92 = tpu.memref_slice %arg5[%dma_wait3A_91] : memref<100352xi32, #tpu.memory_space<vmem>> -> memref<12544xi32, #tpu.memory_space<vmem>>
      %dma_wait3A_93 = arith.constant 25088 : i32
      %dma_wait3A_94 = tpu.memref_slice %arg2[%dma_wait3A_93] : memref<100352xi32, #tpu.memory_space<hbm>> -> memref<12544xi32, #tpu.memory_space<hbm>>
      tpu.wait_dma2 semaphore(%arg8 : memref<!tpu.dma_semaphore, #tpu.memory_space<semaphore_mem>>) src(%dma_wait3A_94 : memref<12544xi32, #tpu.memory_space<hbm>>) dst(%dma_wait3A_92 : memref<12544xi32, #tpu.memory_space<vmem>>)
      %dma_wait3A_95 = arith.constant 37632 : i32
      %dma_wait3A_96 = tpu.memref_slice %arg5[%dma_wait3A_95] : memref<100352xi32, #tpu.memory_space<vmem>> -> memref<12544xi32, #tpu.memory_space<vmem>>
      %dma_wait3A_97 = arith.constant 37632 : i32
      %dma_wait3A_98 = tpu.memref_slice %arg2[%dma_wait3A_97] : memref<100352xi32, #tpu.memory_space<hbm>> -> memref<12544xi32, #tpu.memory_space<hbm>>
      %dma_wait3A_99 = arith.constant 37632 : i32
      %dma_wait3A_100 = tpu.memref_slice %arg5[%dma_wait3A_99] : memref<100352xi32, #tpu.memory_space<vmem>> -> memref<12544xi32, #tpu.memory_space<vmem>>
      %dma_wait3A_101 = arith.constant 37632 : i32
      %dma_wait3A_102 = tpu.memref_slice %arg2[%dma_wait3A_101] : memref<100352xi32, #tpu.memory_space<hbm>> -> memref<12544xi32, #tpu.memory_space<hbm>>
      tpu.wait_dma2 semaphore(%arg8 : memref<!tpu.dma_semaphore, #tpu.memory_space<semaphore_mem>>) src(%dma_wait3A_102 : memref<12544xi32, #tpu.memory_space<hbm>>) dst(%dma_wait3A_100 : memref<12544xi32, #tpu.memory_space<vmem>>)
      %dma_wait3A_103 = arith.constant 50176 : i32
      %dma_wait3A_104 = tpu.memref_slice %arg5[%dma_wait3A_103] : memref<100352xi32, #tpu.memory_space<vmem>> -> memref<12544xi32, #tpu.memory_space<vmem>>
      %dma_wait3A_105 = arith.constant 50176 : i32
      %dma_wait3A_106 = tpu.memref_slice %arg2[%dma_wait3A_105] : memref<100352xi32, #tpu.memory_space<hbm>> -> memref<12544xi32, #tpu.memory_space<hbm>>
      %dma_wait3A_107 = arith.constant 50176 : i32
      %dma_wait3A_108 = tpu.memref_slice %arg5[%dma_wait3A_107] : memref<100352xi32, #tpu.memory_space<vmem>> -> memref<12544xi32, #tpu.memory_space<vmem>>
      %dma_wait3A_109 = arith.constant 50176 : i32
      %dma_wait3A_110 = tpu.memref_slice %arg2[%dma_wait3A_109] : memref<100352xi32, #tpu.memory_space<hbm>> -> memref<12544xi32, #tpu.memory_space<hbm>>
      tpu.wait_dma2 semaphore(%arg8 : memref<!tpu.dma_semaphore, #tpu.memory_space<semaphore_mem>>) src(%dma_wait3A_110 : memref<12544xi32, #tpu.memory_space<hbm>>) dst(%dma_wait3A_108 : memref<12544xi32, #tpu.memory_space<vmem>>)
      %dma_wait3A_111 = arith.constant 62720 : i32
      %dma_wait3A_112 = tpu.memref_slice %arg5[%dma_wait3A_111] : memref<100352xi32, #tpu.memory_space<vmem>> -> memref<12544xi32, #tpu.memory_space<vmem>>
      %dma_wait3A_113 = arith.constant 62720 : i32
      %dma_wait3A_114 = tpu.memref_slice %arg2[%dma_wait3A_113] : memref<100352xi32, #tpu.memory_space<hbm>> -> memref<12544xi32, #tpu.memory_space<hbm>>
      %dma_wait3A_115 = arith.constant 62720 : i32
      %dma_wait3A_116 = tpu.memref_slice %arg5[%dma_wait3A_115] : memref<100352xi32, #tpu.memory_space<vmem>> -> memref<12544xi32, #tpu.memory_space<vmem>>
      %dma_wait3A_117 = arith.constant 62720 : i32
      %dma_wait3A_118 = tpu.memref_slice %arg2[%dma_wait3A_117] : memref<100352xi32, #tpu.memory_space<hbm>> -> memref<12544xi32, #tpu.memory_space<hbm>>
      tpu.wait_dma2 semaphore(%arg8 : memref<!tpu.dma_semaphore, #tpu.memory_space<semaphore_mem>>) src(%dma_wait3A_118 : memref<12544xi32, #tpu.memory_space<hbm>>) dst(%dma_wait3A_116 : memref<12544xi32, #tpu.memory_space<vmem>>)
      %dma_wait3A_119 = arith.constant 75264 : i32
      %dma_wait3A_120 = tpu.memref_slice %arg5[%dma_wait3A_119] : memref<100352xi32, #tpu.memory_space<vmem>> -> memref<12544xi32, #tpu.memory_space<vmem>>
      %dma_wait3A_121 = arith.constant 75264 : i32
      %dma_wait3A_122 = tpu.memref_slice %arg2[%dma_wait3A_121] : memref<100352xi32, #tpu.memory_space<hbm>> -> memref<12544xi32, #tpu.memory_space<hbm>>
      %dma_wait3A_123 = arith.constant 75264 : i32
      %dma_wait3A_124 = tpu.memref_slice %arg5[%dma_wait3A_123] : memref<100352xi32, #tpu.memory_space<vmem>> -> memref<12544xi32, #tpu.memory_space<vmem>>
      %dma_wait3A_125 = arith.constant 75264 : i32
      %dma_wait3A_126 = tpu.memref_slice %arg2[%dma_wait3A_125] : memref<100352xi32, #tpu.memory_space<hbm>> -> memref<12544xi32, #tpu.memory_space<hbm>>
      tpu.wait_dma2 semaphore(%arg8 : memref<!tpu.dma_semaphore, #tpu.memory_space<semaphore_mem>>) src(%dma_wait3A_126 : memref<12544xi32, #tpu.memory_space<hbm>>) dst(%dma_wait3A_124 : memref<12544xi32, #tpu.memory_space<vmem>>)
      %dma_wait3A_127 = arith.constant 87808 : i32
      %dma_wait3A_128 = tpu.memref_slice %arg5[%dma_wait3A_127] : memref<100352xi32, #tpu.memory_space<vmem>> -> memref<12544xi32, #tpu.memory_space<vmem>>
      %dma_wait3A_129 = arith.constant 87808 : i32
      %dma_wait3A_130 = tpu.memref_slice %arg2[%dma_wait3A_129] : memref<100352xi32, #tpu.memory_space<hbm>> -> memref<12544xi32, #tpu.memory_space<hbm>>
      %dma_wait3A_131 = arith.constant 87808 : i32
      %dma_wait3A_132 = tpu.memref_slice %arg5[%dma_wait3A_131] : memref<100352xi32, #tpu.memory_space<vmem>> -> memref<12544xi32, #tpu.memory_space<vmem>>
      %dma_wait3A_133 = arith.constant 87808 : i32
      %dma_wait3A_134 = tpu.memref_slice %arg2[%dma_wait3A_133] : memref<100352xi32, #tpu.memory_space<hbm>> -> memref<12544xi32, #tpu.memory_space<hbm>>
      tpu.wait_dma2 semaphore(%arg8 : memref<!tpu.dma_semaphore, #tpu.memory_space<semaphore_mem>>) src(%dma_wait3A_134 : memref<12544xi32, #tpu.memory_space<hbm>>) dst(%dma_wait3A_132 : memref<12544xi32, #tpu.memory_space<vmem>>)
      %dma_wait3A_135 = tpu.memref_slice %arg3[%mul3A_69] : memref<262144xi32, #tpu.memory_space<hbm>> -> memref<8192xi32, #tpu.memory_space<hbm>>
      %dma_wait3A_136 = tpu.memref_slice %arg3[%mul3A_69] : memref<262144xi32, #tpu.memory_space<hbm>> -> memref<8192xi32, #tpu.memory_space<hbm>>
      tpu.wait_dma2 semaphore(%arg8 : memref<!tpu.dma_semaphore, #tpu.memory_space<semaphore_mem>>) src(%dma_wait3A_136 : memref<8192xi32, #tpu.memory_space<hbm>>) dst(%arg6 : memref<8192xi32, #tpu.memory_space<vmem>>)
      %parallel_loop3A = arith.constant 0 : i32
      %parallel_loop3A_137 = arith.constant 512 : i32
      %parallel_loop3A_138 = arith.constant 1 : i32
      scf.for %parallel_loop3A_916 = %parallel_loop3A to %parallel_loop3A_137 step %parallel_loop3A_138  : i32 {
        %parallel_loop3A_917 = arith.constant 16 : i32
        %parallel_loop3A_918 = arith.muli %parallel_loop3A_916, %parallel_loop3A_917 : i32
        %parallel_loop3A_919 = arith.index_cast %parallel_loop3A_918 : i32 to index
        %parallel_loop3A_920 = tpu.vector_load %arg6[%parallel_loop3A_919] {strides = array<i32>} : memref<8192xi32, #tpu.memory_space<vmem>>, vector<16xi32>,
        %parallel_loop3A_921 = arith.constant 100352 : i32
        %parallel_loop3A_922 = vector.broadcast %parallel_loop3A_921 : i32 to vector<16xi32>
        %parallel_loop3A_923 = arith.cmpi sge, %parallel_loop3A_920, %parallel_loop3A_922 : vector<16xi32>
        %parallel_loop3A_924 = arith.constant 100352 : i32
        %parallel_loop3A_925 = arith.constant 0 : i32
        %parallel_loop3A_926 = vector.broadcast %parallel_loop3A_924 : i32 to vector<16xi32>
        %parallel_loop3A_927 = vector.broadcast %parallel_loop3A_925 : i32 to vector<16xi32>
        %parallel_loop3A_928 = arith.select %parallel_loop3A_923, %parallel_loop3A_926, %parallel_loop3A_927 : vector<16xi1>, vector<16xi32>
        %parallel_loop3A_929 = arith.subi %parallel_loop3A_920, %parallel_loop3A_928 : vector<16xi32>
        %parallel_loop3A_930 = tpu.vector_load_idx %arg5[%parallel_loop3A_929] : memref<100352xi32, #tpu.memory_space<vmem>>[vector<16xi32>], vector<16xi32>,
        %parallel_loop3A_931 = arith.constant 16 : i32
        %parallel_loop3A_932 = arith.constant 0 : i32
        %parallel_loop3A_933 = vector.broadcast %parallel_loop3A_931 : i32 to vector<16xi32>
        %parallel_loop3A_934 = vector.broadcast %parallel_loop3A_932 : i32 to vector<16xi32>
        %parallel_loop3A_935 = arith.select %parallel_loop3A_923, %parallel_loop3A_933, %parallel_loop3A_934 : vector<16xi1>, vector<16xi32>
        %parallel_loop3A_936 = arith.shrsi %parallel_loop3A_930, %parallel_loop3A_935 : vector<16xi32>
        %parallel_loop3A_937 = arith.constant 16 : i32
        %parallel_loop3A_938 = vector.broadcast %parallel_loop3A_937 : i32 to vector<16xi32>
        %parallel_loop3A_939 = arith.shli %parallel_loop3A_936, %parallel_loop3A_938 : vector<16xi32>
        %parallel_loop3A_940 = vector.bitcast %parallel_loop3A_939 : vector<16xi32> to vector<16xf32>
        %parallel_loop3A_941 = arith.index_cast %parallel_loop3A_918 : i32 to index
        %parallel_loop3A_942 = tpu.vector_load %arg7[%parallel_loop3A_941] {strides = array<i32>} : memref<8192xf32, #tpu.memory_space<vmem>>, vector<16xf32>,
        tpu.vector_store %arg7[%parallel_loop3A_941], %parallel_loop3A_940 {strides = array<i32>} : memref<8192xf32, #tpu.memory_space<vmem>>, vector<16xf32>,
      } {sc.loop_unroll_factor = 16 : i64, sc.parallel_access}
      %mul3A_139 = arith.constant 16 : i32
      %mul3A_140 = arith.muli %add3A, %mul3A_139 : i32
      %add3A_141 = arith.constant 0 : i32
      %add3A_142 = arith.addi %mul3A_140, %add3A_141 : i32
      %mul3A_143 = arith.constant 16 : i32
      %mul3A_144 = arith.muli %add3A, %mul3A_143 : i32
      %add3A_145 = arith.constant 1 : i32
      %add3A_146 = arith.addi %mul3A_144, %add3A_145 : i32
      %mul3A_147 = arith.constant 16 : i32
      %mul3A_148 = arith.muli %add3A, %mul3A_147 : i32
      %add3A_149 = arith.constant 2 : i32
      %add3A_150 = arith.addi %mul3A_148, %add3A_149 : i32
      %mul3A_151 = arith.constant 16 : i32
      %mul3A_152 = arith.muli %add3A, %mul3A_151 : i32
      %add3A_153 = arith.constant 3 : i32
      %add3A_154 = arith.addi %mul3A_152, %add3A_153 : i32
      %mul3A_155 = arith.constant 16 : i32
      %mul3A_156 = arith.muli %add3A, %mul3A_155 : i32
      %add3A_157 = arith.constant 4 : i32
      %add3A_158 = arith.addi %mul3A_156, %add3A_157 : i32
      %mul3A_159 = arith.constant 16 : i32
      %mul3A_160 = arith.muli %add3A, %mul3A_159 : i32
      %add3A_161 = arith.constant 5 : i32
      %add3A_162 = arith.addi %mul3A_160, %add3A_161 : i32
      %mul3A_163 = arith.constant 16 : i32
      %mul3A_164 = arith.muli %add3A, %mul3A_163 : i32
      %add3A_165 = arith.constant 6 : i32
      %add3A_166 = arith.addi %mul3A_164, %add3A_165 : i32
      %mul3A_167 = arith.constant 16 : i32
      %mul3A_168 = arith.muli %add3A, %mul3A_167 : i32
      %add3A_169 = arith.constant 7 : i32
      %add3A_170 = arith.addi %mul3A_168, %add3A_169 : i32
      %mul3A_171 = arith.constant 16 : i32
      %mul3A_172 = arith.muli %add3A, %mul3A_171 : i32
      %add3A_173 = arith.constant 8 : i32
      %add3A_174 = arith.addi %mul3A_172, %add3A_173 : i32
      %mul3A_175 = arith.constant 16 : i32
      %mul3A_176 = arith.muli %add3A, %mul3A_175 : i32
      %add3A_177 = arith.constant 9 : i32
      %add3A_178 = arith.addi %mul3A_176, %add3A_177 : i32
      %mul3A_179 = arith.constant 16 : i32
      %mul3A_180 = arith.muli %add3A, %mul3A_179 : i32
      %add3A_181 = arith.constant 10 : i32
      %add3A_182 = arith.addi %mul3A_180, %add3A_181 : i32
      %mul3A_183 = arith.constant 16 : i32
      %mul3A_184 = arith.muli %add3A, %mul3A_183 : i32
      %add3A_185 = arith.constant 11 : i32
      %add3A_186 = arith.addi %mul3A_184, %add3A_185 : i32
      %mul3A_187 = arith.constant 16 : i32
      %mul3A_188 = arith.muli %add3A, %mul3A_187 : i32
      %add3A_189 = arith.constant 12 : i32
      %add3A_190 = arith.addi %mul3A_188, %add3A_189 : i32
      %mul3A_191 = arith.constant 16 : i32
      %mul3A_192 = arith.muli %add3A, %mul3A_191 : i32
      %add3A_193 = arith.constant 13 : i32
      %add3A_194 = arith.addi %mul3A_192, %add3A_193 : i32
      %mul3A_195 = arith.constant 16 : i32
      %mul3A_196 = arith.muli %add3A, %mul3A_195 : i32
      %add3A_197 = arith.constant 14 : i32
      %add3A_198 = arith.addi %mul3A_196, %add3A_197 : i32
      %mul3A_199 = arith.constant 16 : i32
      %mul3A_200 = arith.muli %add3A, %mul3A_199 : i32
      %add3A_201 = arith.constant 15 : i32
      %add3A_202 = arith.addi %mul3A_200, %add3A_201 : i32
      %dma_start3A_203 = arith.constant 0 : i32
      %dma_start3A_204 = tpu.memref_slice %arg7[%dma_start3A_203] : memref<8192xf32, #tpu.memory_space<vmem>> -> memref<512xf32, #tpu.memory_space<vmem>>
      %dma_start3A_205 = arith.constant 0 : i32
      %dma_start3A_206 = tpu.memref_slice %arg4[%add3A_142, %dma_start3A_205] : memref<512x512xf32, #tpu.memory_space<hbm>> -> memref<1x512xf32, #tpu.memory_space<hbm>>
      %dma_start3A_207 = tpu.memref_squeeze %dma_start3A_206 : memref<1x512xf32, #tpu.memory_space<hbm>> -> memref<512xf32, #tpu.memory_space<hbm>>
      %dma_start3A_208 = arith.constant 0 : i32
      %dma_start3A_209 = tpu.memref_slice %arg4[%add3A_142, %dma_start3A_208] : memref<512x512xf32, #tpu.memory_space<hbm>> -> memref<1x512xf32, #tpu.memory_space<hbm>>
      %dma_start3A_210 = tpu.memref_squeeze %dma_start3A_209 : memref<1x512xf32, #tpu.memory_space<hbm>> -> memref<512xf32, #tpu.memory_space<hbm>>
      %dma_start3A_211 = arith.constant 0 : i32
      %dma_start3A_212 = tpu.memref_slice %arg7[%dma_start3A_211] : memref<8192xf32, #tpu.memory_space<vmem>> -> memref<512xf32, #tpu.memory_space<vmem>>
      tpu.enqueue_dma source(%dma_start3A_212 : memref<512xf32, #tpu.memory_space<vmem>>) target(%dma_start3A_210 : memref<512xf32, #tpu.memory_space<hbm>>) target_semaphore(%arg8 : memref<!tpu.dma_semaphore, #tpu.memory_space<semaphore_mem>>)
      %dma_start3A_213 = arith.constant 512 : i32
      %dma_start3A_214 = tpu.memref_slice %arg7[%dma_start3A_213] : memref<8192xf32, #tpu.memory_space<vmem>> -> memref<512xf32, #tpu.memory_space<vmem>>
      %dma_start3A_215 = arith.constant 0 : i32
      %dma_start3A_216 = tpu.memref_slice %arg4[%add3A_146, %dma_start3A_215] : memref<512x512xf32, #tpu.memory_space<hbm>> -> memref<1x512xf32, #tpu.memory_space<hbm>>
      %dma_start3A_217 = tpu.memref_squeeze %dma_start3A_216 : memref<1x512xf32, #tpu.memory_space<hbm>> -> memref<512xf32, #tpu.memory_space<hbm>>
      %dma_start3A_218 = arith.constant 0 : i32
      %dma_start3A_219 = tpu.memref_slice %arg4[%add3A_146, %dma_start3A_218] : memref<512x512xf32, #tpu.memory_space<hbm>> -> memref<1x512xf32, #tpu.memory_space<hbm>>
      %dma_start3A_220 = tpu.memref_squeeze %dma_start3A_219 : memref<1x512xf32, #tpu.memory_space<hbm>> -> memref<512xf32, #tpu.memory_space<hbm>>
      %dma_start3A_221 = arith.constant 512 : i32
      %dma_start3A_222 = tpu.memref_slice %arg7[%dma_start3A_221] : memref<8192xf32, #tpu.memory_space<vmem>> -> memref<512xf32, #tpu.memory_space<vmem>>
      tpu.enqueue_dma source(%dma_start3A_222 : memref<512xf32, #tpu.memory_space<vmem>>) target(%dma_start3A_220 : memref<512xf32, #tpu.memory_space<hbm>>) target_semaphore(%arg8 : memref<!tpu.dma_semaphore, #tpu.memory_space<semaphore_mem>>)
      %dma_start3A_223 = arith.constant 1024 : i32
      %dma_start3A_224 = tpu.memref_slice %arg7[%dma_start3A_223] : memref<8192xf32, #tpu.memory_space<vmem>> -> memref<512xf32, #tpu.memory_space<vmem>>
      %dma_start3A_225 = arith.constant 0 : i32
      %dma_start3A_226 = tpu.memref_slice %arg4[%add3A_150, %dma_start3A_225] : memref<512x512xf32, #tpu.memory_space<hbm>> -> memref<1x512xf32, #tpu.memory_space<hbm>>
      %dma_start3A_227 = tpu.memref_squeeze %dma_start3A_226 : memref<1x512xf32, #tpu.memory_space<hbm>> -> memref<512xf32, #tpu.memory_space<hbm>>
      %dma_start3A_228 = arith.constant 0 : i32
      %dma_start3A_229 = tpu.memref_slice %arg4[%add3A_150, %dma_start3A_228] : memref<512x512xf32, #tpu.memory_space<hbm>> -> memref<1x512xf32, #tpu.memory_space<hbm>>
      %dma_start3A_230 = tpu.memref_squeeze %dma_start3A_229 : memref<1x512xf32, #tpu.memory_space<hbm>> -> memref<512xf32, #tpu.memory_space<hbm>>
      %dma_start3A_231 = arith.constant 1024 : i32
      %dma_start3A_232 = tpu.memref_slice %arg7[%dma_start3A_231] : memref<8192xf32, #tpu.memory_space<vmem>> -> memref<512xf32, #tpu.memory_space<vmem>>
      tpu.enqueue_dma source(%dma_start3A_232 : memref<512xf32, #tpu.memory_space<vmem>>) target(%dma_start3A_230 : memref<512xf32, #tpu.memory_space<hbm>>) target_semaphore(%arg8 : memref<!tpu.dma_semaphore, #tpu.memory_space<semaphore_mem>>)
      %dma_start3A_233 = arith.constant 1536 : i32
      %dma_start3A_234 = tpu.memref_slice %arg7[%dma_start3A_233] : memref<8192xf32, #tpu.memory_space<vmem>> -> memref<512xf32, #tpu.memory_space<vmem>>
      %dma_start3A_235 = arith.constant 0 : i32
      %dma_start3A_236 = tpu.memref_slice %arg4[%add3A_154, %dma_start3A_235] : memref<512x512xf32, #tpu.memory_space<hbm>> -> memref<1x512xf32, #tpu.memory_space<hbm>>
      %dma_start3A_237 = tpu.memref_squeeze %dma_start3A_236 : memref<1x512xf32, #tpu.memory_space<hbm>> -> memref<512xf32, #tpu.memory_space<hbm>>
      %dma_start3A_238 = arith.constant 0 : i32
      %dma_start3A_239 = tpu.memref_slice %arg4[%add3A_154, %dma_start3A_238] : memref<512x512xf32, #tpu.memory_space<hbm>> -> memref<1x512xf32, #tpu.memory_space<hbm>>
      %dma_start3A_240 = tpu.memref_squeeze %dma_start3A_239 : memref<1x512xf32, #tpu.memory_space<hbm>> -> memref<512xf32, #tpu.memory_space<hbm>>
      %dma_start3A_241 = arith.constant 1536 : i32
      %dma_start3A_242 = tpu.memref_slice %arg7[%dma_start3A_241] : memref<8192xf32, #tpu.memory_space<vmem>> -> memref<512xf32, #tpu.memory_space<vmem>>
      tpu.enqueue_dma source(%dma_start3A_242 : memref<512xf32, #tpu.memory_space<vmem>>) target(%dma_start3A_240 : memref<512xf32, #tpu.memory_space<hbm>>) target_semaphore(%arg8 : memref<!tpu.dma_semaphore, #tpu.memory_space<semaphore_mem>>)
      %dma_start3A_243 = arith.constant 2048 : i32
      %dma_start3A_244 = tpu.memref_slice %arg7[%dma_start3A_243] : memref<8192xf32, #tpu.memory_space<vmem>> -> memref<512xf32, #tpu.memory_space<vmem>>
      %dma_start3A_245 = arith.constant 0 : i32
      %dma_start3A_246 = tpu.memref_slice %arg4[%add3A_158, %dma_start3A_245] : memref<512x512xf32, #tpu.memory_space<hbm>> -> memref<1x512xf32, #tpu.memory_space<hbm>>
      %dma_start3A_247 = tpu.memref_squeeze %dma_start3A_246 : memref<1x512xf32, #tpu.memory_space<hbm>> -> memref<512xf32, #tpu.memory_space<hbm>>
      %dma_start3A_248 = arith.constant 0 : i32
      %dma_start3A_249 = tpu.memref_slice %arg4[%add3A_158, %dma_start3A_248] : memref<512x512xf32, #tpu.memory_space<hbm>> -> memref<1x512xf32, #tpu.memory_space<hbm>>
      %dma_start3A_250 = tpu.memref_squeeze %dma_start3A_249 : memref<1x512xf32, #tpu.memory_space<hbm>> -> memref<512xf32, #tpu.memory_space<hbm>>
      %dma_start3A_251 = arith.constant 2048 : i32
      %dma_start3A_252 = tpu.memref_slice %arg7[%dma_start3A_251] : memref<8192xf32, #tpu.memory_space<vmem>> -> memref<512xf32, #tpu.memory_space<vmem>>
      tpu.enqueue_dma source(%dma_start3A_252 : memref<512xf32, #tpu.memory_space<vmem>>) target(%dma_start3A_250 : memref<512xf32, #tpu.memory_space<hbm>>) target_semaphore(%arg8 : memref<!tpu.dma_semaphore, #tpu.memory_space<semaphore_mem>>)
      %dma_start3A_253 = arith.constant 2560 : i32
      %dma_start3A_254 = tpu.memref_slice %arg7[%dma_start3A_253] : memref<8192xf32, #tpu.memory_space<vmem>> -> memref<512xf32, #tpu.memory_space<vmem>>
      %dma_start3A_255 = arith.constant 0 : i32
      %dma_start3A_256 = tpu.memref_slice %arg4[%add3A_162, %dma_start3A_255] : memref<512x512xf32, #tpu.memory_space<hbm>> -> memref<1x512xf32, #tpu.memory_space<hbm>>
      %dma_start3A_257 = tpu.memref_squeeze %dma_start3A_256 : memref<1x512xf32, #tpu.memory_space<hbm>> -> memref<512xf32, #tpu.memory_space<hbm>>
      %dma_start3A_258 = arith.constant 0 : i32
      %dma_start3A_259 = tpu.memref_slice %arg4[%add3A_162, %dma_start3A_258] : memref<512x512xf32, #tpu.memory_space<hbm>> -> memref<1x512xf32, #tpu.memory_space<hbm>>
      %dma_start3A_260 = tpu.memref_squeeze %dma_start3A_259 : memref<1x512xf32, #tpu.memory_space<hbm>> -> memref<512xf32, #tpu.memory_space<hbm>>
      %dma_start3A_261 = arith.constant 2560 : i32
      %dma_start3A_262 = tpu.memref_slice %arg7[%dma_start3A_261] : memref<8192xf32, #tpu.memory_space<vmem>> -> memref<512xf32, #tpu.memory_space<vmem>>
      tpu.enqueue_dma source(%dma_start3A_262 : memref<512xf32, #tpu.memory_space<vmem>>) target(%dma_start3A_260 : memref<512xf32, #tpu.memory_space<hbm>>) target_semaphore(%arg8 : memref<!tpu.dma_semaphore, #tpu.memory_space<semaphore_mem>>)
      %dma_start3A_263 = arith.constant 3072 : i32
      %dma_start3A_264 = tpu.memref_slice %arg7[%dma_start3A_263] : memref<8192xf32, #tpu.memory_space<vmem>> -> memref<512xf32, #tpu.memory_space<vmem>>
      %dma_start3A_265 = arith.constant 0 : i32
      %dma_start3A_266 = tpu.memref_slice %arg4[%add3A_166, %dma_start3A_265] : memref<512x512xf32, #tpu.memory_space<hbm>> -> memref<1x512xf32, #tpu.memory_space<hbm>>
      %dma_start3A_267 = tpu.memref_squeeze %dma_start3A_266 : memref<1x512xf32, #tpu.memory_space<hbm>> -> memref<512xf32, #tpu.memory_space<hbm>>
      %dma_start3A_268 = arith.constant 0 : i32
      %dma_start3A_269 = tpu.memref_slice %arg4[%add3A_166, %dma_start3A_268] : memref<512x512xf32, #tpu.memory_space<hbm>> -> memref<1x512xf32, #tpu.memory_space<hbm>>
      %dma_start3A_270 = tpu.memref_squeeze %dma_start3A_269 : memref<1x512xf32, #tpu.memory_space<hbm>> -> memref<512xf32, #tpu.memory_space<hbm>>
      %dma_start3A_271 = arith.constant 3072 : i32
      %dma_start3A_272 = tpu.memref_slice %arg7[%dma_start3A_271] : memref<8192xf32, #tpu.memory_space<vmem>> -> memref<512xf32, #tpu.memory_space<vmem>>
      tpu.enqueue_dma source(%dma_start3A_272 : memref<512xf32, #tpu.memory_space<vmem>>) target(%dma_start3A_270 : memref<512xf32, #tpu.memory_space<hbm>>) target_semaphore(%arg8 : memref<!tpu.dma_semaphore, #tpu.memory_space<semaphore_mem>>)
      %dma_start3A_273 = arith.constant 3584 : i32
      %dma_start3A_274 = tpu.memref_slice %arg7[%dma_start3A_273] : memref<8192xf32, #tpu.memory_space<vmem>> -> memref<512xf32, #tpu.memory_space<vmem>>
      %dma_start3A_275 = arith.constant 0 : i32
      %dma_start3A_276 = tpu.memref_slice %arg4[%add3A_170, %dma_start3A_275] : memref<512x512xf32, #tpu.memory_space<hbm>> -> memref<1x512xf32, #tpu.memory_space<hbm>>
      %dma_start3A_277 = tpu.memref_squeeze %dma_start3A_276 : memref<1x512xf32, #tpu.memory_space<hbm>> -> memref<512xf32, #tpu.memory_space<hbm>>
      %dma_start3A_278 = arith.constant 0 : i32
      %dma_start3A_279 = tpu.memref_slice %arg4[%add3A_170, %dma_start3A_278] : memref<512x512xf32, #tpu.memory_space<hbm>> -> memref<1x512xf32, #tpu.memory_space<hbm>>
      %dma_start3A_280 = tpu.memref_squeeze %dma_start3A_279 : memref<1x512xf32, #tpu.memory_space<hbm>> -> memref<512xf32, #tpu.memory_space<hbm>>
      %dma_start3A_281 = arith.constant 3584 : i32
      %dma_start3A_282 = tpu.memref_slice %arg7[%dma_start3A_281] : memref<8192xf32, #tpu.memory_space<vmem>> -> memref<512xf32, #tpu.memory_space<vmem>>
      tpu.enqueue_dma source(%dma_start3A_282 : memref<512xf32, #tpu.memory_space<vmem>>) target(%dma_start3A_280 : memref<512xf32, #tpu.memory_space<hbm>>) target_semaphore(%arg8 : memref<!tpu.dma_semaphore, #tpu.memory_space<semaphore_mem>>)
      %dma_start3A_283 = arith.constant 4096 : i32
      %dma_start3A_284 = tpu.memref_slice %arg7[%dma_start3A_283] : memref<8192xf32, #tpu.memory_space<vmem>> -> memref<512xf32, #tpu.memory_space<vmem>>
      %dma_start3A_285 = arith.constant 0 : i32
      %dma_start3A_286 = tpu.memref_slice %arg4[%add3A_174, %dma_start3A_285] : memref<512x512xf32, #tpu.memory_space<hbm>> -> memref<1x512xf32, #tpu.memory_space<hbm>>
      %dma_start3A_287 = tpu.memref_squeeze %dma_start3A_286 : memref<1x512xf32, #tpu.memory_space<hbm>> -> memref<512xf32, #tpu.memory_space<hbm>>
      %dma_start3A_288 = arith.constant 0 : i32
      %dma_start3A_289 = tpu.memref_slice %arg4[%add3A_174, %dma_start3A_288] : memref<512x512xf32, #tpu.memory_space<hbm>> -> memref<1x512xf32, #tpu.memory_space<hbm>>
      %dma_start3A_290 = tpu.memref_squeeze %dma_start3A_289 : memref<1x512xf32, #tpu.memory_space<hbm>> -> memref<512xf32, #tpu.memory_space<hbm>>
      %dma_start3A_291 = arith.constant 4096 : i32
      %dma_start3A_292 = tpu.memref_slice %arg7[%dma_start3A_291] : memref<8192xf32, #tpu.memory_space<vmem>> -> memref<512xf32, #tpu.memory_space<vmem>>
      tpu.enqueue_dma source(%dma_start3A_292 : memref<512xf32, #tpu.memory_space<vmem>>) target(%dma_start3A_290 : memref<512xf32, #tpu.memory_space<hbm>>) target_semaphore(%arg8 : memref<!tpu.dma_semaphore, #tpu.memory_space<semaphore_mem>>)
      %dma_start3A_293 = arith.constant 4608 : i32
      %dma_start3A_294 = tpu.memref_slice %arg7[%dma_start3A_293] : memref<8192xf32, #tpu.memory_space<vmem>> -> memref<512xf32, #tpu.memory_space<vmem>>
      %dma_start3A_295 = arith.constant 0 : i32
      %dma_start3A_296 = tpu.memref_slice %arg4[%add3A_178, %dma_start3A_295] : memref<512x512xf32, #tpu.memory_space<hbm>> -> memref<1x512xf32, #tpu.memory_space<hbm>>
      %dma_start3A_297 = tpu.memref_squeeze %dma_start3A_296 : memref<1x512xf32, #tpu.memory_space<hbm>> -> memref<512xf32, #tpu.memory_space<hbm>>
      %dma_start3A_298 = arith.constant 0 : i32
      %dma_start3A_299 = tpu.memref_slice %arg4[%add3A_178, %dma_start3A_298] : memref<512x512xf32, #tpu.memory_space<hbm>> -> memref<1x512xf32, #tpu.memory_space<hbm>>
      %dma_start3A_300 = tpu.memref_squeeze %dma_start3A_299 : memref<1x512xf32, #tpu.memory_space<hbm>> -> memref<512xf32, #tpu.memory_space<hbm>>
      %dma_start3A_301 = arith.constant 4608 : i32
      %dma_start3A_302 = tpu.memref_slice %arg7[%dma_start3A_301] : memref<8192xf32, #tpu.memory_space<vmem>> -> memref<512xf32, #tpu.memory_space<vmem>>
      tpu.enqueue_dma source(%dma_start3A_302 : memref<512xf32, #tpu.memory_space<vmem>>) target(%dma_start3A_300 : memref<512xf32, #tpu.memory_space<hbm>>) target_semaphore(%arg8 : memref<!tpu.dma_semaphore, #tpu.memory_space<semaphore_mem>>)
      %dma_start3A_303 = arith.constant 5120 : i32
      %dma_start3A_304 = tpu.memref_slice %arg7[%dma_start3A_303] : memref<8192xf32, #tpu.memory_space<vmem>> -> memref<512xf32, #tpu.memory_space<vmem>>
      %dma_start3A_305 = arith.constant 0 : i32
      %dma_start3A_306 = tpu.memref_slice %arg4[%add3A_182, %dma_start3A_305] : memref<512x512xf32, #tpu.memory_space<hbm>> -> memref<1x512xf32, #tpu.memory_space<hbm>>
      %dma_start3A_307 = tpu.memref_squeeze %dma_start3A_306 : memref<1x512xf32, #tpu.memory_space<hbm>> -> memref<512xf32, #tpu.memory_space<hbm>>
      %dma_start3A_308 = arith.constant 0 : i32
      %dma_start3A_309 = tpu.memref_slice %arg4[%add3A_182, %dma_start3A_308] : memref<512x512xf32, #tpu.memory_space<hbm>> -> memref<1x512xf32, #tpu.memory_space<hbm>>
      %dma_start3A_310 = tpu.memref_squeeze %dma_start3A_309 : memref<1x512xf32, #tpu.memory_space<hbm>> -> memref<512xf32, #tpu.memory_space<hbm>>
      %dma_start3A_311 = arith.constant 5120 : i32
      %dma_start3A_312 = tpu.memref_slice %arg7[%dma_start3A_311] : memref<8192xf32, #tpu.memory_space<vmem>> -> memref<512xf32, #tpu.memory_space<vmem>>
      tpu.enqueue_dma source(%dma_start3A_312 : memref<512xf32, #tpu.memory_space<vmem>>) target(%dma_start3A_310 : memref<512xf32, #tpu.memory_space<hbm>>) target_semaphore(%arg8 : memref<!tpu.dma_semaphore, #tpu.memory_space<semaphore_mem>>)
      %dma_start3A_313 = arith.constant 5632 : i32
      %dma_start3A_314 = tpu.memref_slice %arg7[%dma_start3A_313] : memref<8192xf32, #tpu.memory_space<vmem>> -> memref<512xf32, #tpu.memory_space<vmem>>
      %dma_start3A_315 = arith.constant 0 : i32
      %dma_start3A_316 = tpu.memref_slice %arg4[%add3A_186, %dma_start3A_315] : memref<512x512xf32, #tpu.memory_space<hbm>> -> memref<1x512xf32, #tpu.memory_space<hbm>>
      %dma_start3A_317 = tpu.memref_squeeze %dma_start3A_316 : memref<1x512xf32, #tpu.memory_space<hbm>> -> memref<512xf32, #tpu.memory_space<hbm>>
      %dma_start3A_318 = arith.constant 0 : i32
      %dma_start3A_319 = tpu.memref_slice %arg4[%add3A_186, %dma_start3A_318] : memref<512x512xf32, #tpu.memory_space<hbm>> -> memref<1x512xf32, #tpu.memory_space<hbm>>
      %dma_start3A_320 = tpu.memref_squeeze %dma_start3A_319 : memref<1x512xf32, #tpu.memory_space<hbm>> -> memref<512xf32, #tpu.memory_space<hbm>>
      %dma_start3A_321 = arith.constant 5632 : i32
      %dma_start3A_322 = tpu.memref_slice %arg7[%dma_start3A_321] : memref<8192xf32, #tpu.memory_space<vmem>> -> memref<512xf32, #tpu.memory_space<vmem>>
      tpu.enqueue_dma source(%dma_start3A_322 : memref<512xf32, #tpu.memory_space<vmem>>) target(%dma_start3A_320 : memref<512xf32, #tpu.memory_space<hbm>>) target_semaphore(%arg8 : memref<!tpu.dma_semaphore, #tpu.memory_space<semaphore_mem>>)
      %dma_start3A_323 = arith.constant 6144 : i32
      %dma_start3A_324 = tpu.memref_slice %arg7[%dma_start3A_323] : memref<8192xf32, #tpu.memory_space<vmem>> -> memref<512xf32, #tpu.memory_space<vmem>>
      %dma_start3A_325 = arith.constant 0 : i32
      %dma_start3A_326 = tpu.memref_slice %arg4[%add3A_190, %dma_start3A_325] : memref<512x512xf32, #tpu.memory_space<hbm>> -> memref<1x512xf32, #tpu.memory_space<hbm>>
      %dma_start3A_327 = tpu.memref_squeeze %dma_start3A_326 : memref<1x512xf32, #tpu.memory_space<hbm>> -> memref<512xf32, #tpu.memory_space<hbm>>
      %dma_start3A_328 = arith.constant 0 : i32
      %dma_start3A_329 = tpu.memref_slice %arg4[%add3A_190, %dma_start3A_328] : memref<512x512xf32, #tpu.memory_space<hbm>> -> memref<1x512xf32, #tpu.memory_space<hbm>>
      %dma_start3A_330 = tpu.memref_squeeze %dma_start3A_329 : memref<1x512xf32, #tpu.memory_space<hbm>> -> memref<512xf32, #tpu.memory_space<hbm>>
      %dma_start3A_331 = arith.constant 6144 : i32
      %dma_start3A_332 = tpu.memref_slice %arg7[%dma_start3A_331] : memref<8192xf32, #tpu.memory_space<vmem>> -> memref<512xf32, #tpu.memory_space<vmem>>
      tpu.enqueue_dma source(%dma_start3A_332 : memref<512xf32, #tpu.memory_space<vmem>>) target(%dma_start3A_330 : memref<512xf32, #tpu.memory_space<hbm>>) target_semaphore(%arg8 : memref<!tpu.dma_semaphore, #tpu.memory_space<semaphore_mem>>)
      %dma_start3A_333 = arith.constant 6656 : i32
      %dma_start3A_334 = tpu.memref_slice %arg7[%dma_start3A_333] : memref<8192xf32, #tpu.memory_space<vmem>> -> memref<512xf32, #tpu.memory_space<vmem>>
      %dma_start3A_335 = arith.constant 0 : i32
      %dma_start3A_336 = tpu.memref_slice %arg4[%add3A_194, %dma_start3A_335] : memref<512x512xf32, #tpu.memory_space<hbm>> -> memref<1x512xf32, #tpu.memory_space<hbm>>
      %dma_start3A_337 = tpu.memref_squeeze %dma_start3A_336 : memref<1x512xf32, #tpu.memory_space<hbm>> -> memref<512xf32, #tpu.memory_space<hbm>>
      %dma_start3A_338 = arith.constant 0 : i32
      %dma_start3A_339 = tpu.memref_slice %arg4[%add3A_194, %dma_start3A_338] : memref<512x512xf32, #tpu.memory_space<hbm>> -> memref<1x512xf32, #tpu.memory_space<hbm>>
      %dma_start3A_340 = tpu.memref_squeeze %dma_start3A_339 : memref<1x512xf32, #tpu.memory_space<hbm>> -> memref<512xf32, #tpu.memory_space<hbm>>
      %dma_start3A_341 = arith.constant 6656 : i32
      %dma_start3A_342 = tpu.memref_slice %arg7[%dma_start3A_341] : memref<8192xf32, #tpu.memory_space<vmem>> -> memref<512xf32, #tpu.memory_space<vmem>>
      tpu.enqueue_dma source(%dma_start3A_342 : memref<512xf32, #tpu.memory_space<vmem>>) target(%dma_start3A_340 : memref<512xf32, #tpu.memory_space<hbm>>) target_semaphore(%arg8 : memref<!tpu.dma_semaphore, #tpu.memory_space<semaphore_mem>>)
      %dma_start3A_343 = arith.constant 7168 : i32
      %dma_start3A_344 = tpu.memref_slice %arg7[%dma_start3A_343] : memref<8192xf32, #tpu.memory_space<vmem>> -> memref<512xf32, #tpu.memory_space<vmem>>
      %dma_start3A_345 = arith.constant 0 : i32
      %dma_start3A_346 = tpu.memref_slice %arg4[%add3A_198, %dma_start3A_345] : memref<512x512xf32, #tpu.memory_space<hbm>> -> memref<1x512xf32, #tpu.memory_space<hbm>>
      %dma_start3A_347 = tpu.memref_squeeze %dma_start3A_346 : memref<1x512xf32, #tpu.memory_space<hbm>> -> memref<512xf32, #tpu.memory_space<hbm>>
      %dma_start3A_348 = arith.constant 0 : i32
      %dma_start3A_349 = tpu.memref_slice %arg4[%add3A_198, %dma_start3A_348] : memref<512x512xf32, #tpu.memory_space<hbm>> -> memref<1x512xf32, #tpu.memory_space<hbm>>
      %dma_start3A_350 = tpu.memref_squeeze %dma_start3A_349 : memref<1x512xf32, #tpu.memory_space<hbm>> -> memref<512xf32, #tpu.memory_space<hbm>>
      %dma_start3A_351 = arith.constant 7168 : i32
      %dma_start3A_352 = tpu.memref_slice %arg7[%dma_start3A_351] : memref<8192xf32, #tpu.memory_space<vmem>> -> memref<512xf32, #tpu.memory_space<vmem>>
      tpu.enqueue_dma source(%dma_start3A_352 : memref<512xf32, #tpu.memory_space<vmem>>) target(%dma_start3A_350 : memref<512xf32, #tpu.memory_space<hbm>>) target_semaphore(%arg8 : memref<!tpu.dma_semaphore, #tpu.memory_space<semaphore_mem>>)
      %dma_start3A_353 = arith.constant 7680 : i32
      %dma_start3A_354 = tpu.memref_slice %arg7[%dma_start3A_353] : memref<8192xf32, #tpu.memory_space<vmem>> -> memref<512xf32, #tpu.memory_space<vmem>>
      %dma_start3A_355 = arith.constant 0 : i32
      %dma_start3A_356 = tpu.memref_slice %arg4[%add3A_202, %dma_start3A_355] : memref<512x512xf32, #tpu.memory_space<hbm>> -> memref<1x512xf32, #tpu.memory_space<hbm>>
      %dma_start3A_357 = tpu.memref_squeeze %dma_start3A_356 : memref<1x512xf32, #tpu.memory_space<hbm>> -> memref<512xf32, #tpu.memory_space<hbm>>
      %dma_start3A_358 = arith.constant 0 : i32
      %dma_start3A_359 = tpu.memref_slice %arg4[%add3A_202, %dma_start3A_358] : memref<512x512xf32, #tpu.memory_space<hbm>> -> memref<1x512xf32, #tpu.memory_space<hbm>>
      %dma_start3A_360 = tpu.memref_squeeze %dma_start3A_359 : memref<1x512xf32, #tpu.memory_space<hbm>> -> memref<512xf32, #tpu.memory_space<hbm>>
      %dma_start3A_361 = arith.constant 7680 : i32
      %dma_start3A_362 = tpu.memref_slice %arg7[%dma_start3A_361] : memref<8192xf32, #tpu.memory_space<vmem>> -> memref<512xf32, #tpu.memory_space<vmem>>
      tpu.enqueue_dma source(%dma_start3A_362 : memref<512xf32, #tpu.memory_space<vmem>>) target(%dma_start3A_360 : memref<512xf32, #tpu.memory_space<hbm>>) target_semaphore(%arg8 : memref<!tpu.dma_semaphore, #tpu.memory_space<semaphore_mem>>)
      %mul3A_363 = arith.constant 8192 : i32
      %mul3A_364 = arith.muli %add3A_67, %mul3A_363 : i32
      %dma_start3A_365 = tpu.memref_slice %arg3[%mul3A_364] : memref<262144xi32, #tpu.memory_space<hbm>> -> memref<8192xi32, #tpu.memory_space<hbm>>
      %dma_start3A_366 = tpu.memref_slice %arg3[%mul3A_364] : memref<262144xi32, #tpu.memory_space<hbm>> -> memref<8192xi32, #tpu.memory_space<hbm>>
      tpu.enqueue_dma source(%dma_start3A_366 : memref<8192xi32, #tpu.memory_space<hbm>>) target(%arg6 : memref<8192xi32, #tpu.memory_space<vmem>>) target_semaphore(%arg8 : memref<!tpu.dma_semaphore, #tpu.memory_space<semaphore_mem>>)
      %dma_wait3A_367 = arith.constant 0 : i32
      %dma_wait3A_368 = tpu.memref_slice %arg7[%dma_wait3A_367] : memref<8192xf32, #tpu.memory_space<vmem>> -> memref<512xf32, #tpu.memory_space<vmem>>
      %dma_wait3A_369 = arith.constant 0 : i32
      %dma_wait3A_370 = tpu.memref_slice %arg4[%add3A_142, %dma_wait3A_369] : memref<512x512xf32, #tpu.memory_space<hbm>> -> memref<1x512xf32, #tpu.memory_space<hbm>>
      %dma_wait3A_371 = tpu.memref_squeeze %dma_wait3A_370 : memref<1x512xf32, #tpu.memory_space<hbm>> -> memref<512xf32, #tpu.memory_space<hbm>>
      %dma_wait3A_372 = arith.constant 0 : i32
      %dma_wait3A_373 = tpu.memref_slice %arg4[%add3A_142, %dma_wait3A_372] : memref<512x512xf32, #tpu.memory_space<hbm>> -> memref<1x512xf32, #tpu.memory_space<hbm>>
      %dma_wait3A_374 = tpu.memref_squeeze %dma_wait3A_373 : memref<1x512xf32, #tpu.memory_space<hbm>> -> memref<512xf32, #tpu.memory_space<hbm>>
      %dma_wait3A_375 = arith.constant 0 : i32
      %dma_wait3A_376 = tpu.memref_slice %arg7[%dma_wait3A_375] : memref<8192xf32, #tpu.memory_space<vmem>> -> memref<512xf32, #tpu.memory_space<vmem>>
      tpu.wait_dma2 semaphore(%arg8 : memref<!tpu.dma_semaphore, #tpu.memory_space<semaphore_mem>>) src(%dma_wait3A_376 : memref<512xf32, #tpu.memory_space<vmem>>) dst(%dma_wait3A_374 : memref<512xf32, #tpu.memory_space<hbm>>)
      %dma_wait3A_377 = arith.constant 512 : i32
      %dma_wait3A_378 = tpu.memref_slice %arg7[%dma_wait3A_377] : memref<8192xf32, #tpu.memory_space<vmem>> -> memref<512xf32, #tpu.memory_space<vmem>>
      %dma_wait3A_379 = arith.constant 0 : i32
      %dma_wait3A_380 = tpu.memref_slice %arg4[%add3A_146, %dma_wait3A_379] : memref<512x512xf32, #tpu.memory_space<hbm>> -> memref<1x512xf32, #tpu.memory_space<hbm>>
      %dma_wait3A_381 = tpu.memref_squeeze %dma_wait3A_380 : memref<1x512xf32, #tpu.memory_space<hbm>> -> memref<512xf32, #tpu.memory_space<hbm>>
      %dma_wait3A_382 = arith.constant 0 : i32
      %dma_wait3A_383 = tpu.memref_slice %arg4[%add3A_146, %dma_wait3A_382] : memref<512x512xf32, #tpu.memory_space<hbm>> -> memref<1x512xf32, #tpu.memory_space<hbm>>
      %dma_wait3A_384 = tpu.memref_squeeze %dma_wait3A_383 : memref<1x512xf32, #tpu.memory_space<hbm>> -> memref<512xf32, #tpu.memory_space<hbm>>
      %dma_wait3A_385 = arith.constant 512 : i32
      %dma_wait3A_386 = tpu.memref_slice %arg7[%dma_wait3A_385] : memref<8192xf32, #tpu.memory_space<vmem>> -> memref<512xf32, #tpu.memory_space<vmem>>
      tpu.wait_dma2 semaphore(%arg8 : memref<!tpu.dma_semaphore, #tpu.memory_space<semaphore_mem>>) src(%dma_wait3A_386 : memref<512xf32, #tpu.memory_space<vmem>>) dst(%dma_wait3A_384 : memref<512xf32, #tpu.memory_space<hbm>>)
      %dma_wait3A_387 = arith.constant 1024 : i32
      %dma_wait3A_388 = tpu.memref_slice %arg7[%dma_wait3A_387] : memref<8192xf32, #tpu.memory_space<vmem>> -> memref<512xf32, #tpu.memory_space<vmem>>
      %dma_wait3A_389 = arith.constant 0 : i32
      %dma_wait3A_390 = tpu.memref_slice %arg4[%add3A_150, %dma_wait3A_389] : memref<512x512xf32, #tpu.memory_space<hbm>> -> memref<1x512xf32, #tpu.memory_space<hbm>>
      %dma_wait3A_391 = tpu.memref_squeeze %dma_wait3A_390 : memref<1x512xf32, #tpu.memory_space<hbm>> -> memref<512xf32, #tpu.memory_space<hbm>>
      %dma_wait3A_392 = arith.constant 0 : i32
      %dma_wait3A_393 = tpu.memref_slice %arg4[%add3A_150, %dma_wait3A_392] : memref<512x512xf32, #tpu.memory_space<hbm>> -> memref<1x512xf32, #tpu.memory_space<hbm>>
      %dma_wait3A_394 = tpu.memref_squeeze %dma_wait3A_393 : memref<1x512xf32, #tpu.memory_space<hbm>> -> memref<512xf32, #tpu.memory_space<hbm>>
      %dma_wait3A_395 = arith.constant 1024 : i32
      %dma_wait3A_396 = tpu.memref_slice %arg7[%dma_wait3A_395] : memref<8192xf32, #tpu.memory_space<vmem>> -> memref<512xf32, #tpu.memory_space<vmem>>
      tpu.wait_dma2 semaphore(%arg8 : memref<!tpu.dma_semaphore, #tpu.memory_space<semaphore_mem>>) src(%dma_wait3A_396 : memref<512xf32, #tpu.memory_space<vmem>>) dst(%dma_wait3A_394 : memref<512xf32, #tpu.memory_space<hbm>>)
      %dma_wait3A_397 = arith.constant 1536 : i32
      %dma_wait3A_398 = tpu.memref_slice %arg7[%dma_wait3A_397] : memref<8192xf32, #tpu.memory_space<vmem>> -> memref<512xf32, #tpu.memory_space<vmem>>
      %dma_wait3A_399 = arith.constant 0 : i32
      %dma_wait3A_400 = tpu.memref_slice %arg4[%add3A_154, %dma_wait3A_399] : memref<512x512xf32, #tpu.memory_space<hbm>> -> memref<1x512xf32, #tpu.memory_space<hbm>>
      %dma_wait3A_401 = tpu.memref_squeeze %dma_wait3A_400 : memref<1x512xf32, #tpu.memory_space<hbm>> -> memref<512xf32, #tpu.memory_space<hbm>>
      %dma_wait3A_402 = arith.constant 0 : i32
      %dma_wait3A_403 = tpu.memref_slice %arg4[%add3A_154, %dma_wait3A_402] : memref<512x512xf32, #tpu.memory_space<hbm>> -> memref<1x512xf32, #tpu.memory_space<hbm>>
      %dma_wait3A_404 = tpu.memref_squeeze %dma_wait3A_403 : memref<1x512xf32, #tpu.memory_space<hbm>> -> memref<512xf32, #tpu.memory_space<hbm>>
      %dma_wait3A_405 = arith.constant 1536 : i32
      %dma_wait3A_406 = tpu.memref_slice %arg7[%dma_wait3A_405] : memref<8192xf32, #tpu.memory_space<vmem>> -> memref<512xf32, #tpu.memory_space<vmem>>
      tpu.wait_dma2 semaphore(%arg8 : memref<!tpu.dma_semaphore, #tpu.memory_space<semaphore_mem>>) src(%dma_wait3A_406 : memref<512xf32, #tpu.memory_space<vmem>>) dst(%dma_wait3A_404 : memref<512xf32, #tpu.memory_space<hbm>>)
      %dma_wait3A_407 = arith.constant 2048 : i32
      %dma_wait3A_408 = tpu.memref_slice %arg7[%dma_wait3A_407] : memref<8192xf32, #tpu.memory_space<vmem>> -> memref<512xf32, #tpu.memory_space<vmem>>
      %dma_wait3A_409 = arith.constant 0 : i32
      %dma_wait3A_410 = tpu.memref_slice %arg4[%add3A_158, %dma_wait3A_409] : memref<512x512xf32, #tpu.memory_space<hbm>> -> memref<1x512xf32, #tpu.memory_space<hbm>>
      %dma_wait3A_411 = tpu.memref_squeeze %dma_wait3A_410 : memref<1x512xf32, #tpu.memory_space<hbm>> -> memref<512xf32, #tpu.memory_space<hbm>>
      %dma_wait3A_412 = arith.constant 0 : i32
      %dma_wait3A_413 = tpu.memref_slice %arg4[%add3A_158, %dma_wait3A_412] : memref<512x512xf32, #tpu.memory_space<hbm>> -> memref<1x512xf32, #tpu.memory_space<hbm>>
      %dma_wait3A_414 = tpu.memref_squeeze %dma_wait3A_413 : memref<1x512xf32, #tpu.memory_space<hbm>> -> memref<512xf32, #tpu.memory_space<hbm>>
      %dma_wait3A_415 = arith.constant 2048 : i32
      %dma_wait3A_416 = tpu.memref_slice %arg7[%dma_wait3A_415] : memref<8192xf32, #tpu.memory_space<vmem>> -> memref<512xf32, #tpu.memory_space<vmem>>
      tpu.wait_dma2 semaphore(%arg8 : memref<!tpu.dma_semaphore, #tpu.memory_space<semaphore_mem>>) src(%dma_wait3A_416 : memref<512xf32, #tpu.memory_space<vmem>>) dst(%dma_wait3A_414 : memref<512xf32, #tpu.memory_space<hbm>>)
      %dma_wait3A_417 = arith.constant 2560 : i32
      %dma_wait3A_418 = tpu.memref_slice %arg7[%dma_wait3A_417] : memref<8192xf32, #tpu.memory_space<vmem>> -> memref<512xf32, #tpu.memory_space<vmem>>
      %dma_wait3A_419 = arith.constant 0 : i32
      %dma_wait3A_420 = tpu.memref_slice %arg4[%add3A_162, %dma_wait3A_419] : memref<512x512xf32, #tpu.memory_space<hbm>> -> memref<1x512xf32, #tpu.memory_space<hbm>>
      %dma_wait3A_421 = tpu.memref_squeeze %dma_wait3A_420 : memref<1x512xf32, #tpu.memory_space<hbm>> -> memref<512xf32, #tpu.memory_space<hbm>>
      %dma_wait3A_422 = arith.constant 0 : i32
      %dma_wait3A_423 = tpu.memref_slice %arg4[%add3A_162, %dma_wait3A_422] : memref<512x512xf32, #tpu.memory_space<hbm>> -> memref<1x512xf32, #tpu.memory_space<hbm>>
      %dma_wait3A_424 = tpu.memref_squeeze %dma_wait3A_423 : memref<1x512xf32, #tpu.memory_space<hbm>> -> memref<512xf32, #tpu.memory_space<hbm>>
      %dma_wait3A_425 = arith.constant 2560 : i32
      %dma_wait3A_426 = tpu.memref_slice %arg7[%dma_wait3A_425] : memref<8192xf32, #tpu.memory_space<vmem>> -> memref<512xf32, #tpu.memory_space<vmem>>
      tpu.wait_dma2 semaphore(%arg8 : memref<!tpu.dma_semaphore, #tpu.memory_space<semaphore_mem>>) src(%dma_wait3A_426 : memref<512xf32, #tpu.memory_space<vmem>>) dst(%dma_wait3A_424 : memref<512xf32, #tpu.memory_space<hbm>>)
      %dma_wait3A_427 = arith.constant 3072 : i32
      %dma_wait3A_428 = tpu.memref_slice %arg7[%dma_wait3A_427] : memref<8192xf32, #tpu.memory_space<vmem>> -> memref<512xf32, #tpu.memory_space<vmem>>
      %dma_wait3A_429 = arith.constant 0 : i32
      %dma_wait3A_430 = tpu.memref_slice %arg4[%add3A_166, %dma_wait3A_429] : memref<512x512xf32, #tpu.memory_space<hbm>> -> memref<1x512xf32, #tpu.memory_space<hbm>>
      %dma_wait3A_431 = tpu.memref_squeeze %dma_wait3A_430 : memref<1x512xf32, #tpu.memory_space<hbm>> -> memref<512xf32, #tpu.memory_space<hbm>>
      %dma_wait3A_432 = arith.constant 0 : i32
      %dma_wait3A_433 = tpu.memref_slice %arg4[%add3A_166, %dma_wait3A_432] : memref<512x512xf32, #tpu.memory_space<hbm>> -> memref<1x512xf32, #tpu.memory_space<hbm>>
      %dma_wait3A_434 = tpu.memref_squeeze %dma_wait3A_433 : memref<1x512xf32, #tpu.memory_space<hbm>> -> memref<512xf32, #tpu.memory_space<hbm>>
      %dma_wait3A_435 = arith.constant 3072 : i32
      %dma_wait3A_436 = tpu.memref_slice %arg7[%dma_wait3A_435] : memref<8192xf32, #tpu.memory_space<vmem>> -> memref<512xf32, #tpu.memory_space<vmem>>
      tpu.wait_dma2 semaphore(%arg8 : memref<!tpu.dma_semaphore, #tpu.memory_space<semaphore_mem>>) src(%dma_wait3A_436 : memref<512xf32, #tpu.memory_space<vmem>>) dst(%dma_wait3A_434 : memref<512xf32, #tpu.memory_space<hbm>>)
      %dma_wait3A_437 = arith.constant 3584 : i32
      %dma_wait3A_438 = tpu.memref_slice %arg7[%dma_wait3A_437] : memref<8192xf32, #tpu.memory_space<vmem>> -> memref<512xf32, #tpu.memory_space<vmem>>
      %dma_wait3A_439 = arith.constant 0 : i32
      %dma_wait3A_440 = tpu.memref_slice %arg4[%add3A_170, %dma_wait3A_439] : memref<512x512xf32, #tpu.memory_space<hbm>> -> memref<1x512xf32, #tpu.memory_space<hbm>>
      %dma_wait3A_441 = tpu.memref_squeeze %dma_wait3A_440 : memref<1x512xf32, #tpu.memory_space<hbm>> -> memref<512xf32, #tpu.memory_space<hbm>>
      %dma_wait3A_442 = arith.constant 0 : i32
      %dma_wait3A_443 = tpu.memref_slice %arg4[%add3A_170, %dma_wait3A_442] : memref<512x512xf32, #tpu.memory_space<hbm>> -> memref<1x512xf32, #tpu.memory_space<hbm>>
      %dma_wait3A_444 = tpu.memref_squeeze %dma_wait3A_443 : memref<1x512xf32, #tpu.memory_space<hbm>> -> memref<512xf32, #tpu.memory_space<hbm>>
      %dma_wait3A_445 = arith.constant 3584 : i32
      %dma_wait3A_446 = tpu.memref_slice %arg7[%dma_wait3A_445] : memref<8192xf32, #tpu.memory_space<vmem>> -> memref<512xf32, #tpu.memory_space<vmem>>
      tpu.wait_dma2 semaphore(%arg8 : memref<!tpu.dma_semaphore, #tpu.memory_space<semaphore_mem>>) src(%dma_wait3A_446 : memref<512xf32, #tpu.memory_space<vmem>>) dst(%dma_wait3A_444 : memref<512xf32, #tpu.memory_space<hbm>>)
      %dma_wait3A_447 = arith.constant 4096 : i32
      %dma_wait3A_448 = tpu.memref_slice %arg7[%dma_wait3A_447] : memref<8192xf32, #tpu.memory_space<vmem>> -> memref<512xf32, #tpu.memory_space<vmem>>
      %dma_wait3A_449 = arith.constant 0 : i32
      %dma_wait3A_450 = tpu.memref_slice %arg4[%add3A_174, %dma_wait3A_449] : memref<512x512xf32, #tpu.memory_space<hbm>> -> memref<1x512xf32, #tpu.memory_space<hbm>>
      %dma_wait3A_451 = tpu.memref_squeeze %dma_wait3A_450 : memref<1x512xf32, #tpu.memory_space<hbm>> -> memref<512xf32, #tpu.memory_space<hbm>>
      %dma_wait3A_452 = arith.constant 0 : i32
      %dma_wait3A_453 = tpu.memref_slice %arg4[%add3A_174, %dma_wait3A_452] : memref<512x512xf32, #tpu.memory_space<hbm>> -> memref<1x512xf32, #tpu.memory_space<hbm>>
      %dma_wait3A_454 = tpu.memref_squeeze %dma_wait3A_453 : memref<1x512xf32, #tpu.memory_space<hbm>> -> memref<512xf32, #tpu.memory_space<hbm>>
      %dma_wait3A_455 = arith.constant 4096 : i32
      %dma_wait3A_456 = tpu.memref_slice %arg7[%dma_wait3A_455] : memref<8192xf32, #tpu.memory_space<vmem>> -> memref<512xf32, #tpu.memory_space<vmem>>
      tpu.wait_dma2 semaphore(%arg8 : memref<!tpu.dma_semaphore, #tpu.memory_space<semaphore_mem>>) src(%dma_wait3A_456 : memref<512xf32, #tpu.memory_space<vmem>>) dst(%dma_wait3A_454 : memref<512xf32, #tpu.memory_space<hbm>>)
      %dma_wait3A_457 = arith.constant 4608 : i32
      %dma_wait3A_458 = tpu.memref_slice %arg7[%dma_wait3A_457] : memref<8192xf32, #tpu.memory_space<vmem>> -> memref<512xf32, #tpu.memory_space<vmem>>
      %dma_wait3A_459 = arith.constant 0 : i32
      %dma_wait3A_460 = tpu.memref_slice %arg4[%add3A_178, %dma_wait3A_459] : memref<512x512xf32, #tpu.memory_space<hbm>> -> memref<1x512xf32, #tpu.memory_space<hbm>>
      %dma_wait3A_461 = tpu.memref_squeeze %dma_wait3A_460 : memref<1x512xf32, #tpu.memory_space<hbm>> -> memref<512xf32, #tpu.memory_space<hbm>>
      %dma_wait3A_462 = arith.constant 0 : i32
      %dma_wait3A_463 = tpu.memref_slice %arg4[%add3A_178, %dma_wait3A_462] : memref<512x512xf32, #tpu.memory_space<hbm>> -> memref<1x512xf32, #tpu.memory_space<hbm>>
      %dma_wait3A_464 = tpu.memref_squeeze %dma_wait3A_463 : memref<1x512xf32, #tpu.memory_space<hbm>> -> memref<512xf32, #tpu.memory_space<hbm>>
      %dma_wait3A_465 = arith.constant 4608 : i32
      %dma_wait3A_466 = tpu.memref_slice %arg7[%dma_wait3A_465] : memref<8192xf32, #tpu.memory_space<vmem>> -> memref<512xf32, #tpu.memory_space<vmem>>
      tpu.wait_dma2 semaphore(%arg8 : memref<!tpu.dma_semaphore, #tpu.memory_space<semaphore_mem>>) src(%dma_wait3A_466 : memref<512xf32, #tpu.memory_space<vmem>>) dst(%dma_wait3A_464 : memref<512xf32, #tpu.memory_space<hbm>>)
      %dma_wait3A_467 = arith.constant 5120 : i32
      %dma_wait3A_468 = tpu.memref_slice %arg7[%dma_wait3A_467] : memref<8192xf32, #tpu.memory_space<vmem>> -> memref<512xf32, #tpu.memory_space<vmem>>
      %dma_wait3A_469 = arith.constant 0 : i32
      %dma_wait3A_470 = tpu.memref_slice %arg4[%add3A_182, %dma_wait3A_469] : memref<512x512xf32, #tpu.memory_space<hbm>> -> memref<1x512xf32, #tpu.memory_space<hbm>>
      %dma_wait3A_471 = tpu.memref_squeeze %dma_wait3A_470 : memref<1x512xf32, #tpu.memory_space<hbm>> -> memref<512xf32, #tpu.memory_space<hbm>>
      %dma_wait3A_472 = arith.constant 0 : i32
      %dma_wait3A_473 = tpu.memref_slice %arg4[%add3A_182, %dma_wait3A_472] : memref<512x512xf32, #tpu.memory_space<hbm>> -> memref<1x512xf32, #tpu.memory_space<hbm>>
      %dma_wait3A_474 = tpu.memref_squeeze %dma_wait3A_473 : memref<1x512xf32, #tpu.memory_space<hbm>> -> memref<512xf32, #tpu.memory_space<hbm>>
      %dma_wait3A_475 = arith.constant 5120 : i32
      %dma_wait3A_476 = tpu.memref_slice %arg7[%dma_wait3A_475] : memref<8192xf32, #tpu.memory_space<vmem>> -> memref<512xf32, #tpu.memory_space<vmem>>
      tpu.wait_dma2 semaphore(%arg8 : memref<!tpu.dma_semaphore, #tpu.memory_space<semaphore_mem>>) src(%dma_wait3A_476 : memref<512xf32, #tpu.memory_space<vmem>>) dst(%dma_wait3A_474 : memref<512xf32, #tpu.memory_space<hbm>>)
      %dma_wait3A_477 = arith.constant 5632 : i32
      %dma_wait3A_478 = tpu.memref_slice %arg7[%dma_wait3A_477] : memref<8192xf32, #tpu.memory_space<vmem>> -> memref<512xf32, #tpu.memory_space<vmem>>
      %dma_wait3A_479 = arith.constant 0 : i32
      %dma_wait3A_480 = tpu.memref_slice %arg4[%add3A_186, %dma_wait3A_479] : memref<512x512xf32, #tpu.memory_space<hbm>> -> memref<1x512xf32, #tpu.memory_space<hbm>>
      %dma_wait3A_481 = tpu.memref_squeeze %dma_wait3A_480 : memref<1x512xf32, #tpu.memory_space<hbm>> -> memref<512xf32, #tpu.memory_space<hbm>>
      %dma_wait3A_482 = arith.constant 0 : i32
      %dma_wait3A_483 = tpu.memref_slice %arg4[%add3A_186, %dma_wait3A_482] : memref<512x512xf32, #tpu.memory_space<hbm>> -> memref<1x512xf32, #tpu.memory_space<hbm>>
      %dma_wait3A_484 = tpu.memref_squeeze %dma_wait3A_483 : memref<1x512xf32, #tpu.memory_space<hbm>> -> memref<512xf32, #tpu.memory_space<hbm>>
      %dma_wait3A_485 = arith.constant 5632 : i32
      %dma_wait3A_486 = tpu.memref_slice %arg7[%dma_wait3A_485] : memref<8192xf32, #tpu.memory_space<vmem>> -> memref<512xf32, #tpu.memory_space<vmem>>
      tpu.wait_dma2 semaphore(%arg8 : memref<!tpu.dma_semaphore, #tpu.memory_space<semaphore_mem>>) src(%dma_wait3A_486 : memref<512xf32, #tpu.memory_space<vmem>>) dst(%dma_wait3A_484 : memref<512xf32, #tpu.memory_space<hbm>>)
      %dma_wait3A_487 = arith.constant 6144 : i32
      %dma_wait3A_488 = tpu.memref_slice %arg7[%dma_wait3A_487] : memref<8192xf32, #tpu.memory_space<vmem>> -> memref<512xf32, #tpu.memory_space<vmem>>
      %dma_wait3A_489 = arith.constant 0 : i32
      %dma_wait3A_490 = tpu.memref_slice %arg4[%add3A_190, %dma_wait3A_489] : memref<512x512xf32, #tpu.memory_space<hbm>> -> memref<1x512xf32, #tpu.memory_space<hbm>>
      %dma_wait3A_491 = tpu.memref_squeeze %dma_wait3A_490 : memref<1x512xf32, #tpu.memory_space<hbm>> -> memref<512xf32, #tpu.memory_space<hbm>>
      %dma_wait3A_492 = arith.constant 0 : i32
      %dma_wait3A_493 = tpu.memref_slice %arg4[%add3A_190, %dma_wait3A_492] : memref<512x512xf32, #tpu.memory_space<hbm>> -> memref<1x512xf32, #tpu.memory_space<hbm>>
      %dma_wait3A_494 = tpu.memref_squeeze %dma_wait3A_493 : memref<1x512xf32, #tpu.memory_space<hbm>> -> memref<512xf32, #tpu.memory_space<hbm>>
      %dma_wait3A_495 = arith.constant 6144 : i32
      %dma_wait3A_496 = tpu.memref_slice %arg7[%dma_wait3A_495] : memref<8192xf32, #tpu.memory_space<vmem>> -> memref<512xf32, #tpu.memory_space<vmem>>
      tpu.wait_dma2 semaphore(%arg8 : memref<!tpu.dma_semaphore, #tpu.memory_space<semaphore_mem>>) src(%dma_wait3A_496 : memref<512xf32, #tpu.memory_space<vmem>>) dst(%dma_wait3A_494 : memref<512xf32, #tpu.memory_space<hbm>>)
      %dma_wait3A_497 = arith.constant 6656 : i32
      %dma_wait3A_498 = tpu.memref_slice %arg7[%dma_wait3A_497] : memref<8192xf32, #tpu.memory_space<vmem>> -> memref<512xf32, #tpu.memory_space<vmem>>
      %dma_wait3A_499 = arith.constant 0 : i32
      %dma_wait3A_500 = tpu.memref_slice %arg4[%add3A_194, %dma_wait3A_499] : memref<512x512xf32, #tpu.memory_space<hbm>> -> memref<1x512xf32, #tpu.memory_space<hbm>>
      %dma_wait3A_501 = tpu.memref_squeeze %dma_wait3A_500 : memref<1x512xf32, #tpu.memory_space<hbm>> -> memref<512xf32, #tpu.memory_space<hbm>>
      %dma_wait3A_502 = arith.constant 0 : i32
      %dma_wait3A_503 = tpu.memref_slice %arg4[%add3A_194, %dma_wait3A_502] : memref<512x512xf32, #tpu.memory_space<hbm>> -> memref<1x512xf32, #tpu.memory_space<hbm>>
      %dma_wait3A_504 = tpu.memref_squeeze %dma_wait3A_503 : memref<1x512xf32, #tpu.memory_space<hbm>> -> memref<512xf32, #tpu.memory_space<hbm>>
      %dma_wait3A_505 = arith.constant 6656 : i32
      %dma_wait3A_506 = tpu.memref_slice %arg7[%dma_wait3A_505] : memref<8192xf32, #tpu.memory_space<vmem>> -> memref<512xf32, #tpu.memory_space<vmem>>
      tpu.wait_dma2 semaphore(%arg8 : memref<!tpu.dma_semaphore, #tpu.memory_space<semaphore_mem>>) src(%dma_wait3A_506 : memref<512xf32, #tpu.memory_space<vmem>>) dst(%dma_wait3A_504 : memref<512xf32, #tpu.memory_space<hbm>>)
      %dma_wait3A_507 = arith.constant 7168 : i32
      %dma_wait3A_508 = tpu.memref_slice %arg7[%dma_wait3A_507] : memref<8192xf32, #tpu.memory_space<vmem>> -> memref<512xf32, #tpu.memory_space<vmem>>
      %dma_wait3A_509 = arith.constant 0 : i32
      %dma_wait3A_510 = tpu.memref_slice %arg4[%add3A_198, %dma_wait3A_509] : memref<512x512xf32, #tpu.memory_space<hbm>> -> memref<1x512xf32, #tpu.memory_space<hbm>>
      %dma_wait3A_511 = tpu.memref_squeeze %dma_wait3A_510 : memref<1x512xf32, #tpu.memory_space<hbm>> -> memref<512xf32, #tpu.memory_space<hbm>>
      %dma_wait3A_512 = arith.constant 0 : i32
      %dma_wait3A_513 = tpu.memref_slice %arg4[%add3A_198, %dma_wait3A_512] : memref<512x512xf32, #tpu.memory_space<hbm>> -> memref<1x512xf32, #tpu.memory_space<hbm>>
      %dma_wait3A_514 = tpu.memref_squeeze %dma_wait3A_513 : memref<1x512xf32, #tpu.memory_space<hbm>> -> memref<512xf32, #tpu.memory_space<hbm>>
      %dma_wait3A_515 = arith.constant 7168 : i32
      %dma_wait3A_516 = tpu.memref_slice %arg7[%dma_wait3A_515] : memref<8192xf32, #tpu.memory_space<vmem>> -> memref<512xf32, #tpu.memory_space<vmem>>
      tpu.wait_dma2 semaphore(%arg8 : memref<!tpu.dma_semaphore, #tpu.memory_space<semaphore_mem>>) src(%dma_wait3A_516 : memref<512xf32, #tpu.memory_space<vmem>>) dst(%dma_wait3A_514 : memref<512xf32, #tpu.memory_space<hbm>>)
      %dma_wait3A_517 = arith.constant 7680 : i32
      %dma_wait3A_518 = tpu.memref_slice %arg7[%dma_wait3A_517] : memref<8192xf32, #tpu.memory_space<vmem>> -> memref<512xf32, #tpu.memory_space<vmem>>
      %dma_wait3A_519 = arith.constant 0 : i32
      %dma_wait3A_520 = tpu.memref_slice %arg4[%add3A_202, %dma_wait3A_519] : memref<512x512xf32, #tpu.memory_space<hbm>> -> memref<1x512xf32, #tpu.memory_space<hbm>>
      %dma_wait3A_521 = tpu.memref_squeeze %dma_wait3A_520 : memref<1x512xf32, #tpu.memory_space<hbm>> -> memref<512xf32, #tpu.memory_space<hbm>>
      %dma_wait3A_522 = arith.constant 0 : i32
      %dma_wait3A_523 = tpu.memref_slice %arg4[%add3A_202, %dma_wait3A_522] : memref<512x512xf32, #tpu.memory_space<hbm>> -> memref<1x512xf32, #tpu.memory_space<hbm>>
      %dma_wait3A_524 = tpu.memref_squeeze %dma_wait3A_523 : memref<1x512xf32, #tpu.memory_space<hbm>> -> memref<512xf32, #tpu.memory_space<hbm>>
      %dma_wait3A_525 = arith.constant 7680 : i32
      %dma_wait3A_526 = tpu.memref_slice %arg7[%dma_wait3A_525] : memref<8192xf32, #tpu.memory_space<vmem>> -> memref<512xf32, #tpu.memory_space<vmem>>
      tpu.wait_dma2 semaphore(%arg8 : memref<!tpu.dma_semaphore, #tpu.memory_space<semaphore_mem>>) src(%dma_wait3A_526 : memref<512xf32, #tpu.memory_space<vmem>>) dst(%dma_wait3A_524 : memref<512xf32, #tpu.memory_space<hbm>>)
      %dma_wait3A_527 = tpu.memref_slice %arg3[%mul3A_364] : memref<262144xi32, #tpu.memory_space<hbm>> -> memref<8192xi32, #tpu.memory_space<hbm>>
      %dma_wait3A_528 = tpu.memref_slice %arg3[%mul3A_364] : memref<262144xi32, #tpu.memory_space<hbm>> -> memref<8192xi32, #tpu.memory_space<hbm>>
      tpu.wait_dma2 semaphore(%arg8 : memref<!tpu.dma_semaphore, #tpu.memory_space<semaphore_mem>>) src(%dma_wait3A_528 : memref<8192xi32, #tpu.memory_space<hbm>>) dst(%arg6 : memref<8192xi32, #tpu.memory_space<vmem>>)
      %parallel_loop3A_529 = arith.constant 0 : i32
      %parallel_loop3A_530 = arith.constant 512 : i32
      %parallel_loop3A_531 = arith.constant 1 : i32
      scf.for %parallel_loop3A_916 = %parallel_loop3A_529 to %parallel_loop3A_530 step %parallel_loop3A_531  : i32 {
        %parallel_loop3A_917 = arith.constant 16 : i32
        %parallel_loop3A_918 = arith.muli %parallel_loop3A_916, %parallel_loop3A_917 : i32
        %parallel_loop3A_919 = arith.index_cast %parallel_loop3A_918 : i32 to index
        %parallel_loop3A_920 = tpu.vector_load %arg6[%parallel_loop3A_919] {strides = array<i32>} : memref<8192xi32, #tpu.memory_space<vmem>>, vector<16xi32>,
        %parallel_loop3A_921 = arith.constant 100352 : i32
        %parallel_loop3A_922 = vector.broadcast %parallel_loop3A_921 : i32 to vector<16xi32>
        %parallel_loop3A_923 = arith.cmpi sge, %parallel_loop3A_920, %parallel_loop3A_922 : vector<16xi32>
        %parallel_loop3A_924 = arith.constant 100352 : i32
        %parallel_loop3A_925 = arith.constant 0 : i32
        %parallel_loop3A_926 = vector.broadcast %parallel_loop3A_924 : i32 to vector<16xi32>
        %parallel_loop3A_927 = vector.broadcast %parallel_loop3A_925 : i32 to vector<16xi32>
        %parallel_loop3A_928 = arith.select %parallel_loop3A_923, %parallel_loop3A_926, %parallel_loop3A_927 : vector<16xi1>, vector<16xi32>
        %parallel_loop3A_929 = arith.subi %parallel_loop3A_920, %parallel_loop3A_928 : vector<16xi32>
        %parallel_loop3A_930 = tpu.vector_load_idx %arg5[%parallel_loop3A_929] : memref<100352xi32, #tpu.memory_space<vmem>>[vector<16xi32>], vector<16xi32>,
        %parallel_loop3A_931 = arith.constant 16 : i32
        %parallel_loop3A_932 = arith.constant 0 : i32
        %parallel_loop3A_933 = vector.broadcast %parallel_loop3A_931 : i32 to vector<16xi32>
        %parallel_loop3A_934 = vector.broadcast %parallel_loop3A_932 : i32 to vector<16xi32>
        %parallel_loop3A_935 = arith.select %parallel_loop3A_923, %parallel_loop3A_933, %parallel_loop3A_934 : vector<16xi1>, vector<16xi32>
        %parallel_loop3A_936 = arith.shrsi %parallel_loop3A_930, %parallel_loop3A_935 : vector<16xi32>
        %parallel_loop3A_937 = arith.constant 16 : i32
        %parallel_loop3A_938 = vector.broadcast %parallel_loop3A_937 : i32 to vector<16xi32>
        %parallel_loop3A_939 = arith.shli %parallel_loop3A_936, %parallel_loop3A_938 : vector<16xi32>
        %parallel_loop3A_940 = vector.bitcast %parallel_loop3A_939 : vector<16xi32> to vector<16xf32>
        %parallel_loop3A_941 = arith.index_cast %parallel_loop3A_918 : i32 to index
        %parallel_loop3A_942 = tpu.vector_load %arg7[%parallel_loop3A_941] {strides = array<i32>} : memref<8192xf32, #tpu.memory_space<vmem>>, vector<16xf32>,
        tpu.vector_store %arg7[%parallel_loop3A_941], %parallel_loop3A_940 {strides = array<i32>} : memref<8192xf32, #tpu.memory_space<vmem>>, vector<16xf32>,
      } {sc.loop_unroll_factor = 16 : i64, sc.parallel_access}
      %mul3A_532 = arith.constant 16 : i32
      %mul3A_533 = arith.muli %add3A_67, %mul3A_532 : i32
      %add3A_534 = arith.constant 0 : i32
      %add3A_535 = arith.addi %mul3A_533, %add3A_534 : i32
      %mul3A_536 = arith.constant 16 : i32
      %mul3A_537 = arith.muli %add3A_67, %mul3A_536 : i32
      %add3A_538 = arith.constant 1 : i32
      %add3A_539 = arith.addi %mul3A_537, %add3A_538 : i32
      %mul3A_540 = arith.constant 16 : i32
      %mul3A_541 = arith.muli %add3A_67, %mul3A_540 : i32
      %add3A_542 = arith.constant 2 : i32
      %add3A_543 = arith.addi %mul3A_541, %add3A_542 : i32
      %mul3A_544 = arith.constant 16 : i32
      %mul3A_545 = arith.muli %add3A_67, %mul3A_544 : i32
      %add3A_546 = arith.constant 3 : i32
      %add3A_547 = arith.addi %mul3A_545, %add3A_546 : i32
      %mul3A_548 = arith.constant 16 : i32
      %mul3A_549 = arith.muli %add3A_67, %mul3A_548 : i32
      %add3A_550 = arith.constant 4 : i32
      %add3A_551 = arith.addi %mul3A_549, %add3A_550 : i32
      %mul3A_552 = arith.constant 16 : i32
      %mul3A_553 = arith.muli %add3A_67, %mul3A_552 : i32
      %add3A_554 = arith.constant 5 : i32
      %add3A_555 = arith.addi %mul3A_553, %add3A_554 : i32
      %mul3A_556 = arith.constant 16 : i32
      %mul3A_557 = arith.muli %add3A_67, %mul3A_556 : i32
      %add3A_558 = arith.constant 6 : i32
      %add3A_559 = arith.addi %mul3A_557, %add3A_558 : i32
      %mul3A_560 = arith.constant 16 : i32
      %mul3A_561 = arith.muli %add3A_67, %mul3A_560 : i32
      %add3A_562 = arith.constant 7 : i32
      %add3A_563 = arith.addi %mul3A_561, %add3A_562 : i32
      %mul3A_564 = arith.constant 16 : i32
      %mul3A_565 = arith.muli %add3A_67, %mul3A_564 : i32
      %add3A_566 = arith.constant 8 : i32
      %add3A_567 = arith.addi %mul3A_565, %add3A_566 : i32
      %mul3A_568 = arith.constant 16 : i32
      %mul3A_569 = arith.muli %add3A_67, %mul3A_568 : i32
      %add3A_570 = arith.constant 9 : i32
      %add3A_571 = arith.addi %mul3A_569, %add3A_570 : i32
      %mul3A_572 = arith.constant 16 : i32
      %mul3A_573 = arith.muli %add3A_67, %mul3A_572 : i32
      %add3A_574 = arith.constant 10 : i32
      %add3A_575 = arith.addi %mul3A_573, %add3A_574 : i32
      %mul3A_576 = arith.constant 16 : i32
      %mul3A_577 = arith.muli %add3A_67, %mul3A_576 : i32
      %add3A_578 = arith.constant 11 : i32
      %add3A_579 = arith.addi %mul3A_577, %add3A_578 : i32
      %mul3A_580 = arith.constant 16 : i32
      %mul3A_581 = arith.muli %add3A_67, %mul3A_580 : i32
      %add3A_582 = arith.constant 12 : i32
      %add3A_583 = arith.addi %mul3A_581, %add3A_582 : i32
      %mul3A_584 = arith.constant 16 : i32
      %mul3A_585 = arith.muli %add3A_67, %mul3A_584 : i32
      %add3A_586 = arith.constant 13 : i32
      %add3A_587 = arith.addi %mul3A_585, %add3A_586 : i32
      %mul3A_588 = arith.constant 16 : i32
      %mul3A_589 = arith.muli %add3A_67, %mul3A_588 : i32
      %add3A_590 = arith.constant 14 : i32
      %add3A_591 = arith.addi %mul3A_589, %add3A_590 : i32
      %mul3A_592 = arith.constant 16 : i32
      %mul3A_593 = arith.muli %add3A_67, %mul3A_592 : i32
      %add3A_594 = arith.constant 15 : i32
      %add3A_595 = arith.addi %mul3A_593, %add3A_594 : i32
      %dma_start3A_596 = arith.constant 0 : i32
      %dma_start3A_597 = tpu.memref_slice %arg7[%dma_start3A_596] : memref<8192xf32, #tpu.memory_space<vmem>> -> memref<512xf32, #tpu.memory_space<vmem>>
      %dma_start3A_598 = arith.constant 0 : i32
      %dma_start3A_599 = tpu.memref_slice %arg4[%add3A_535, %dma_start3A_598] : memref<512x512xf32, #tpu.memory_space<hbm>> -> memref<1x512xf32, #tpu.memory_space<hbm>>
      %dma_start3A_600 = tpu.memref_squeeze %dma_start3A_599 : memref<1x512xf32, #tpu.memory_space<hbm>> -> memref<512xf32, #tpu.memory_space<hbm>>
      %dma_start3A_601 = arith.constant 0 : i32
      %dma_start3A_602 = tpu.memref_slice %arg4[%add3A_535, %dma_start3A_601] : memref<512x512xf32, #tpu.memory_space<hbm>> -> memref<1x512xf32, #tpu.memory_space<hbm>>
      %dma_start3A_603 = tpu.memref_squeeze %dma_start3A_602 : memref<1x512xf32, #tpu.memory_space<hbm>> -> memref<512xf32, #tpu.memory_space<hbm>>
      %dma_start3A_604 = arith.constant 0 : i32
      %dma_start3A_605 = tpu.memref_slice %arg7[%dma_start3A_604] : memref<8192xf32, #tpu.memory_space<vmem>> -> memref<512xf32, #tpu.memory_space<vmem>>
      tpu.enqueue_dma source(%dma_start3A_605 : memref<512xf32, #tpu.memory_space<vmem>>) target(%dma_start3A_603 : memref<512xf32, #tpu.memory_space<hbm>>) target_semaphore(%arg8 : memref<!tpu.dma_semaphore, #tpu.memory_space<semaphore_mem>>)
      %dma_start3A_606 = arith.constant 512 : i32
      %dma_start3A_607 = tpu.memref_slice %arg7[%dma_start3A_606] : memref<8192xf32, #tpu.memory_space<vmem>> -> memref<512xf32, #tpu.memory_space<vmem>>
      %dma_start3A_608 = arith.constant 0 : i32
      %dma_start3A_609 = tpu.memref_slice %arg4[%add3A_539, %dma_start3A_608] : memref<512x512xf32, #tpu.memory_space<hbm>> -> memref<1x512xf32, #tpu.memory_space<hbm>>
      %dma_start3A_610 = tpu.memref_squeeze %dma_start3A_609 : memref<1x512xf32, #tpu.memory_space<hbm>> -> memref<512xf32, #tpu.memory_space<hbm>>
      %dma_start3A_611 = arith.constant 0 : i32
      %dma_start3A_612 = tpu.memref_slice %arg4[%add3A_539, %dma_start3A_611] : memref<512x512xf32, #tpu.memory_space<hbm>> -> memref<1x512xf32, #tpu.memory_space<hbm>>
      %dma_start3A_613 = tpu.memref_squeeze %dma_start3A_612 : memref<1x512xf32, #tpu.memory_space<hbm>> -> memref<512xf32, #tpu.memory_space<hbm>>
      %dma_start3A_614 = arith.constant 512 : i32
      %dma_start3A_615 = tpu.memref_slice %arg7[%dma_start3A_614] : memref<8192xf32, #tpu.memory_space<vmem>> -> memref<512xf32, #tpu.memory_space<vmem>>
      tpu.enqueue_dma source(%dma_start3A_615 : memref<512xf32, #tpu.memory_space<vmem>>) target(%dma_start3A_613 : memref<512xf32, #tpu.memory_space<hbm>>) target_semaphore(%arg8 : memref<!tpu.dma_semaphore, #tpu.memory_space<semaphore_mem>>)
      %dma_start3A_616 = arith.constant 1024 : i32
      %dma_start3A_617 = tpu.memref_slice %arg7[%dma_start3A_616] : memref<8192xf32, #tpu.memory_space<vmem>> -> memref<512xf32, #tpu.memory_space<vmem>>
      %dma_start3A_618 = arith.constant 0 : i32
      %dma_start3A_619 = tpu.memref_slice %arg4[%add3A_543, %dma_start3A_618] : memref<512x512xf32, #tpu.memory_space<hbm>> -> memref<1x512xf32, #tpu.memory_space<hbm>>
      %dma_start3A_620 = tpu.memref_squeeze %dma_start3A_619 : memref<1x512xf32, #tpu.memory_space<hbm>> -> memref<512xf32, #tpu.memory_space<hbm>>
      %dma_start3A_621 = arith.constant 0 : i32
      %dma_start3A_622 = tpu.memref_slice %arg4[%add3A_543, %dma_start3A_621] : memref<512x512xf32, #tpu.memory_space<hbm>> -> memref<1x512xf32, #tpu.memory_space<hbm>>
      %dma_start3A_623 = tpu.memref_squeeze %dma_start3A_622 : memref<1x512xf32, #tpu.memory_space<hbm>> -> memref<512xf32, #tpu.memory_space<hbm>>
      %dma_start3A_624 = arith.constant 1024 : i32
      %dma_start3A_625 = tpu.memref_slice %arg7[%dma_start3A_624] : memref<8192xf32, #tpu.memory_space<vmem>> -> memref<512xf32, #tpu.memory_space<vmem>>
      tpu.enqueue_dma source(%dma_start3A_625 : memref<512xf32, #tpu.memory_space<vmem>>) target(%dma_start3A_623 : memref<512xf32, #tpu.memory_space<hbm>>) target_semaphore(%arg8 : memref<!tpu.dma_semaphore, #tpu.memory_space<semaphore_mem>>)
      %dma_start3A_626 = arith.constant 1536 : i32
      %dma_start3A_627 = tpu.memref_slice %arg7[%dma_start3A_626] : memref<8192xf32, #tpu.memory_space<vmem>> -> memref<512xf32, #tpu.memory_space<vmem>>
      %dma_start3A_628 = arith.constant 0 : i32
      %dma_start3A_629 = tpu.memref_slice %arg4[%add3A_547, %dma_start3A_628] : memref<512x512xf32, #tpu.memory_space<hbm>> -> memref<1x512xf32, #tpu.memory_space<hbm>>
      %dma_start3A_630 = tpu.memref_squeeze %dma_start3A_629 : memref<1x512xf32, #tpu.memory_space<hbm>> -> memref<512xf32, #tpu.memory_space<hbm>>
      %dma_start3A_631 = arith.constant 0 : i32
      %dma_start3A_632 = tpu.memref_slice %arg4[%add3A_547, %dma_start3A_631] : memref<512x512xf32, #tpu.memory_space<hbm>> -> memref<1x512xf32, #tpu.memory_space<hbm>>
      %dma_start3A_633 = tpu.memref_squeeze %dma_start3A_632 : memref<1x512xf32, #tpu.memory_space<hbm>> -> memref<512xf32, #tpu.memory_space<hbm>>
      %dma_start3A_634 = arith.constant 1536 : i32
      %dma_start3A_635 = tpu.memref_slice %arg7[%dma_start3A_634] : memref<8192xf32, #tpu.memory_space<vmem>> -> memref<512xf32, #tpu.memory_space<vmem>>
      tpu.enqueue_dma source(%dma_start3A_635 : memref<512xf32, #tpu.memory_space<vmem>>) target(%dma_start3A_633 : memref<512xf32, #tpu.memory_space<hbm>>) target_semaphore(%arg8 : memref<!tpu.dma_semaphore, #tpu.memory_space<semaphore_mem>>)
      %dma_start3A_636 = arith.constant 2048 : i32
      %dma_start3A_637 = tpu.memref_slice %arg7[%dma_start3A_636] : memref<8192xf32, #tpu.memory_space<vmem>> -> memref<512xf32, #tpu.memory_space<vmem>>
      %dma_start3A_638 = arith.constant 0 : i32
      %dma_start3A_639 = tpu.memref_slice %arg4[%add3A_551, %dma_start3A_638] : memref<512x512xf32, #tpu.memory_space<hbm>> -> memref<1x512xf32, #tpu.memory_space<hbm>>
      %dma_start3A_640 = tpu.memref_squeeze %dma_start3A_639 : memref<1x512xf32, #tpu.memory_space<hbm>> -> memref<512xf32, #tpu.memory_space<hbm>>
      %dma_start3A_641 = arith.constant 0 : i32
      %dma_start3A_642 = tpu.memref_slice %arg4[%add3A_551, %dma_start3A_641] : memref<512x512xf32, #tpu.memory_space<hbm>> -> memref<1x512xf32, #tpu.memory_space<hbm>>
      %dma_start3A_643 = tpu.memref_squeeze %dma_start3A_642 : memref<1x512xf32, #tpu.memory_space<hbm>> -> memref<512xf32, #tpu.memory_space<hbm>>
      %dma_start3A_644 = arith.constant 2048 : i32
      %dma_start3A_645 = tpu.memref_slice %arg7[%dma_start3A_644] : memref<8192xf32, #tpu.memory_space<vmem>> -> memref<512xf32, #tpu.memory_space<vmem>>
      tpu.enqueue_dma source(%dma_start3A_645 : memref<512xf32, #tpu.memory_space<vmem>>) target(%dma_start3A_643 : memref<512xf32, #tpu.memory_space<hbm>>) target_semaphore(%arg8 : memref<!tpu.dma_semaphore, #tpu.memory_space<semaphore_mem>>)
      %dma_start3A_646 = arith.constant 2560 : i32
      %dma_start3A_647 = tpu.memref_slice %arg7[%dma_start3A_646] : memref<8192xf32, #tpu.memory_space<vmem>> -> memref<512xf32, #tpu.memory_space<vmem>>
      %dma_start3A_648 = arith.constant 0 : i32
      %dma_start3A_649 = tpu.memref_slice %arg4[%add3A_555, %dma_start3A_648] : memref<512x512xf32, #tpu.memory_space<hbm>> -> memref<1x512xf32, #tpu.memory_space<hbm>>
      %dma_start3A_650 = tpu.memref_squeeze %dma_start3A_649 : memref<1x512xf32, #tpu.memory_space<hbm>> -> memref<512xf32, #tpu.memory_space<hbm>>
      %dma_start3A_651 = arith.constant 0 : i32
      %dma_start3A_652 = tpu.memref_slice %arg4[%add3A_555, %dma_start3A_651] : memref<512x512xf32, #tpu.memory_space<hbm>> -> memref<1x512xf32, #tpu.memory_space<hbm>>
      %dma_start3A_653 = tpu.memref_squeeze %dma_start3A_652 : memref<1x512xf32, #tpu.memory_space<hbm>> -> memref<512xf32, #tpu.memory_space<hbm>>
      %dma_start3A_654 = arith.constant 2560 : i32
      %dma_start3A_655 = tpu.memref_slice %arg7[%dma_start3A_654] : memref<8192xf32, #tpu.memory_space<vmem>> -> memref<512xf32, #tpu.memory_space<vmem>>
      tpu.enqueue_dma source(%dma_start3A_655 : memref<512xf32, #tpu.memory_space<vmem>>) target(%dma_start3A_653 : memref<512xf32, #tpu.memory_space<hbm>>) target_semaphore(%arg8 : memref<!tpu.dma_semaphore, #tpu.memory_space<semaphore_mem>>)
      %dma_start3A_656 = arith.constant 3072 : i32
      %dma_start3A_657 = tpu.memref_slice %arg7[%dma_start3A_656] : memref<8192xf32, #tpu.memory_space<vmem>> -> memref<512xf32, #tpu.memory_space<vmem>>
      %dma_start3A_658 = arith.constant 0 : i32
      %dma_start3A_659 = tpu.memref_slice %arg4[%add3A_559, %dma_start3A_658] : memref<512x512xf32, #tpu.memory_space<hbm>> -> memref<1x512xf32, #tpu.memory_space<hbm>>
      %dma_start3A_660 = tpu.memref_squeeze %dma_start3A_659 : memref<1x512xf32, #tpu.memory_space<hbm>> -> memref<512xf32, #tpu.memory_space<hbm>>
      %dma_start3A_661 = arith.constant 0 : i32
      %dma_start3A_662 = tpu.memref_slice %arg4[%add3A_559, %dma_start3A_661] : memref<512x512xf32, #tpu.memory_space<hbm>> -> memref<1x512xf32, #tpu.memory_space<hbm>>
      %dma_start3A_663 = tpu.memref_squeeze %dma_start3A_662 : memref<1x512xf32, #tpu.memory_space<hbm>> -> memref<512xf32, #tpu.memory_space<hbm>>
      %dma_start3A_664 = arith.constant 3072 : i32
      %dma_start3A_665 = tpu.memref_slice %arg7[%dma_start3A_664] : memref<8192xf32, #tpu.memory_space<vmem>> -> memref<512xf32, #tpu.memory_space<vmem>>
      tpu.enqueue_dma source(%dma_start3A_665 : memref<512xf32, #tpu.memory_space<vmem>>) target(%dma_start3A_663 : memref<512xf32, #tpu.memory_space<hbm>>) target_semaphore(%arg8 : memref<!tpu.dma_semaphore, #tpu.memory_space<semaphore_mem>>)
      %dma_start3A_666 = arith.constant 3584 : i32
      %dma_start3A_667 = tpu.memref_slice %arg7[%dma_start3A_666] : memref<8192xf32, #tpu.memory_space<vmem>> -> memref<512xf32, #tpu.memory_space<vmem>>
      %dma_start3A_668 = arith.constant 0 : i32
      %dma_start3A_669 = tpu.memref_slice %arg4[%add3A_563, %dma_start3A_668] : memref<512x512xf32, #tpu.memory_space<hbm>> -> memref<1x512xf32, #tpu.memory_space<hbm>>
      %dma_start3A_670 = tpu.memref_squeeze %dma_start3A_669 : memref<1x512xf32, #tpu.memory_space<hbm>> -> memref<512xf32, #tpu.memory_space<hbm>>
      %dma_start3A_671 = arith.constant 0 : i32
      %dma_start3A_672 = tpu.memref_slice %arg4[%add3A_563, %dma_start3A_671] : memref<512x512xf32, #tpu.memory_space<hbm>> -> memref<1x512xf32, #tpu.memory_space<hbm>>
      %dma_start3A_673 = tpu.memref_squeeze %dma_start3A_672 : memref<1x512xf32, #tpu.memory_space<hbm>> -> memref<512xf32, #tpu.memory_space<hbm>>
      %dma_start3A_674 = arith.constant 3584 : i32
      %dma_start3A_675 = tpu.memref_slice %arg7[%dma_start3A_674] : memref<8192xf32, #tpu.memory_space<vmem>> -> memref<512xf32, #tpu.memory_space<vmem>>
      tpu.enqueue_dma source(%dma_start3A_675 : memref<512xf32, #tpu.memory_space<vmem>>) target(%dma_start3A_673 : memref<512xf32, #tpu.memory_space<hbm>>) target_semaphore(%arg8 : memref<!tpu.dma_semaphore, #tpu.memory_space<semaphore_mem>>)
      %dma_start3A_676 = arith.constant 4096 : i32
      %dma_start3A_677 = tpu.memref_slice %arg7[%dma_start3A_676] : memref<8192xf32, #tpu.memory_space<vmem>> -> memref<512xf32, #tpu.memory_space<vmem>>
      %dma_start3A_678 = arith.constant 0 : i32
      %dma_start3A_679 = tpu.memref_slice %arg4[%add3A_567, %dma_start3A_678] : memref<512x512xf32, #tpu.memory_space<hbm>> -> memref<1x512xf32, #tpu.memory_space<hbm>>
      %dma_start3A_680 = tpu.memref_squeeze %dma_start3A_679 : memref<1x512xf32, #tpu.memory_space<hbm>> -> memref<512xf32, #tpu.memory_space<hbm>>
      %dma_start3A_681 = arith.constant 0 : i32
      %dma_start3A_682 = tpu.memref_slice %arg4[%add3A_567, %dma_start3A_681] : memref<512x512xf32, #tpu.memory_space<hbm>> -> memref<1x512xf32, #tpu.memory_space<hbm>>
      %dma_start3A_683 = tpu.memref_squeeze %dma_start3A_682 : memref<1x512xf32, #tpu.memory_space<hbm>> -> memref<512xf32, #tpu.memory_space<hbm>>
      %dma_start3A_684 = arith.constant 4096 : i32
      %dma_start3A_685 = tpu.memref_slice %arg7[%dma_start3A_684] : memref<8192xf32, #tpu.memory_space<vmem>> -> memref<512xf32, #tpu.memory_space<vmem>>
      tpu.enqueue_dma source(%dma_start3A_685 : memref<512xf32, #tpu.memory_space<vmem>>) target(%dma_start3A_683 : memref<512xf32, #tpu.memory_space<hbm>>) target_semaphore(%arg8 : memref<!tpu.dma_semaphore, #tpu.memory_space<semaphore_mem>>)
      %dma_start3A_686 = arith.constant 4608 : i32
      %dma_start3A_687 = tpu.memref_slice %arg7[%dma_start3A_686] : memref<8192xf32, #tpu.memory_space<vmem>> -> memref<512xf32, #tpu.memory_space<vmem>>
      %dma_start3A_688 = arith.constant 0 : i32
      %dma_start3A_689 = tpu.memref_slice %arg4[%add3A_571, %dma_start3A_688] : memref<512x512xf32, #tpu.memory_space<hbm>> -> memref<1x512xf32, #tpu.memory_space<hbm>>
      %dma_start3A_690 = tpu.memref_squeeze %dma_start3A_689 : memref<1x512xf32, #tpu.memory_space<hbm>> -> memref<512xf32, #tpu.memory_space<hbm>>
      %dma_start3A_691 = arith.constant 0 : i32
      %dma_start3A_692 = tpu.memref_slice %arg4[%add3A_571, %dma_start3A_691] : memref<512x512xf32, #tpu.memory_space<hbm>> -> memref<1x512xf32, #tpu.memory_space<hbm>>
      %dma_start3A_693 = tpu.memref_squeeze %dma_start3A_692 : memref<1x512xf32, #tpu.memory_space<hbm>> -> memref<512xf32, #tpu.memory_space<hbm>>
      %dma_start3A_694 = arith.constant 4608 : i32
      %dma_start3A_695 = tpu.memref_slice %arg7[%dma_start3A_694] : memref<8192xf32, #tpu.memory_space<vmem>> -> memref<512xf32, #tpu.memory_space<vmem>>
      tpu.enqueue_dma source(%dma_start3A_695 : memref<512xf32, #tpu.memory_space<vmem>>) target(%dma_start3A_693 : memref<512xf32, #tpu.memory_space<hbm>>) target_semaphore(%arg8 : memref<!tpu.dma_semaphore, #tpu.memory_space<semaphore_mem>>)
      %dma_start3A_696 = arith.constant 5120 : i32
      %dma_start3A_697 = tpu.memref_slice %arg7[%dma_start3A_696] : memref<8192xf32, #tpu.memory_space<vmem>> -> memref<512xf32, #tpu.memory_space<vmem>>
      %dma_start3A_698 = arith.constant 0 : i32
      %dma_start3A_699 = tpu.memref_slice %arg4[%add3A_575, %dma_start3A_698] : memref<512x512xf32, #tpu.memory_space<hbm>> -> memref<1x512xf32, #tpu.memory_space<hbm>>
      %dma_start3A_700 = tpu.memref_squeeze %dma_start3A_699 : memref<1x512xf32, #tpu.memory_space<hbm>> -> memref<512xf32, #tpu.memory_space<hbm>>
      %dma_start3A_701 = arith.constant 0 : i32
      %dma_start3A_702 = tpu.memref_slice %arg4[%add3A_575, %dma_start3A_701] : memref<512x512xf32, #tpu.memory_space<hbm>> -> memref<1x512xf32, #tpu.memory_space<hbm>>
      %dma_start3A_703 = tpu.memref_squeeze %dma_start3A_702 : memref<1x512xf32, #tpu.memory_space<hbm>> -> memref<512xf32, #tpu.memory_space<hbm>>
      %dma_start3A_704 = arith.constant 5120 : i32
      %dma_start3A_705 = tpu.memref_slice %arg7[%dma_start3A_704] : memref<8192xf32, #tpu.memory_space<vmem>> -> memref<512xf32, #tpu.memory_space<vmem>>
      tpu.enqueue_dma source(%dma_start3A_705 : memref<512xf32, #tpu.memory_space<vmem>>) target(%dma_start3A_703 : memref<512xf32, #tpu.memory_space<hbm>>) target_semaphore(%arg8 : memref<!tpu.dma_semaphore, #tpu.memory_space<semaphore_mem>>)
      %dma_start3A_706 = arith.constant 5632 : i32
      %dma_start3A_707 = tpu.memref_slice %arg7[%dma_start3A_706] : memref<8192xf32, #tpu.memory_space<vmem>> -> memref<512xf32, #tpu.memory_space<vmem>>
      %dma_start3A_708 = arith.constant 0 : i32
      %dma_start3A_709 = tpu.memref_slice %arg4[%add3A_579, %dma_start3A_708] : memref<512x512xf32, #tpu.memory_space<hbm>> -> memref<1x512xf32, #tpu.memory_space<hbm>>
      %dma_start3A_710 = tpu.memref_squeeze %dma_start3A_709 : memref<1x512xf32, #tpu.memory_space<hbm>> -> memref<512xf32, #tpu.memory_space<hbm>>
      %dma_start3A_711 = arith.constant 0 : i32
      %dma_start3A_712 = tpu.memref_slice %arg4[%add3A_579, %dma_start3A_711] : memref<512x512xf32, #tpu.memory_space<hbm>> -> memref<1x512xf32, #tpu.memory_space<hbm>>
      %dma_start3A_713 = tpu.memref_squeeze %dma_start3A_712 : memref<1x512xf32, #tpu.memory_space<hbm>> -> memref<512xf32, #tpu.memory_space<hbm>>
      %dma_start3A_714 = arith.constant 5632 : i32
      %dma_start3A_715 = tpu.memref_slice %arg7[%dma_start3A_714] : memref<8192xf32, #tpu.memory_space<vmem>> -> memref<512xf32, #tpu.memory_space<vmem>>
      tpu.enqueue_dma source(%dma_start3A_715 : memref<512xf32, #tpu.memory_space<vmem>>) target(%dma_start3A_713 : memref<512xf32, #tpu.memory_space<hbm>>) target_semaphore(%arg8 : memref<!tpu.dma_semaphore, #tpu.memory_space<semaphore_mem>>)
      %dma_start3A_716 = arith.constant 6144 : i32
      %dma_start3A_717 = tpu.memref_slice %arg7[%dma_start3A_716] : memref<8192xf32, #tpu.memory_space<vmem>> -> memref<512xf32, #tpu.memory_space<vmem>>
      %dma_start3A_718 = arith.constant 0 : i32
      %dma_start3A_719 = tpu.memref_slice %arg4[%add3A_583, %dma_start3A_718] : memref<512x512xf32, #tpu.memory_space<hbm>> -> memref<1x512xf32, #tpu.memory_space<hbm>>
      %dma_start3A_720 = tpu.memref_squeeze %dma_start3A_719 : memref<1x512xf32, #tpu.memory_space<hbm>> -> memref<512xf32, #tpu.memory_space<hbm>>
      %dma_start3A_721 = arith.constant 0 : i32
      %dma_start3A_722 = tpu.memref_slice %arg4[%add3A_583, %dma_start3A_721] : memref<512x512xf32, #tpu.memory_space<hbm>> -> memref<1x512xf32, #tpu.memory_space<hbm>>
      %dma_start3A_723 = tpu.memref_squeeze %dma_start3A_722 : memref<1x512xf32, #tpu.memory_space<hbm>> -> memref<512xf32, #tpu.memory_space<hbm>>
      %dma_start3A_724 = arith.constant 6144 : i32
      %dma_start3A_725 = tpu.memref_slice %arg7[%dma_start3A_724] : memref<8192xf32, #tpu.memory_space<vmem>> -> memref<512xf32, #tpu.memory_space<vmem>>
      tpu.enqueue_dma source(%dma_start3A_725 : memref<512xf32, #tpu.memory_space<vmem>>) target(%dma_start3A_723 : memref<512xf32, #tpu.memory_space<hbm>>) target_semaphore(%arg8 : memref<!tpu.dma_semaphore, #tpu.memory_space<semaphore_mem>>)
      %dma_start3A_726 = arith.constant 6656 : i32
      %dma_start3A_727 = tpu.memref_slice %arg7[%dma_start3A_726] : memref<8192xf32, #tpu.memory_space<vmem>> -> memref<512xf32, #tpu.memory_space<vmem>>
      %dma_start3A_728 = arith.constant 0 : i32
      %dma_start3A_729 = tpu.memref_slice %arg4[%add3A_587, %dma_start3A_728] : memref<512x512xf32, #tpu.memory_space<hbm>> -> memref<1x512xf32, #tpu.memory_space<hbm>>
      %dma_start3A_730 = tpu.memref_squeeze %dma_start3A_729 : memref<1x512xf32, #tpu.memory_space<hbm>> -> memref<512xf32, #tpu.memory_space<hbm>>
      %dma_start3A_731 = arith.constant 0 : i32
      %dma_start3A_732 = tpu.memref_slice %arg4[%add3A_587, %dma_start3A_731] : memref<512x512xf32, #tpu.memory_space<hbm>> -> memref<1x512xf32, #tpu.memory_space<hbm>>
      %dma_start3A_733 = tpu.memref_squeeze %dma_start3A_732 : memref<1x512xf32, #tpu.memory_space<hbm>> -> memref<512xf32, #tpu.memory_space<hbm>>
      %dma_start3A_734 = arith.constant 6656 : i32
      %dma_start3A_735 = tpu.memref_slice %arg7[%dma_start3A_734] : memref<8192xf32, #tpu.memory_space<vmem>> -> memref<512xf32, #tpu.memory_space<vmem>>
      tpu.enqueue_dma source(%dma_start3A_735 : memref<512xf32, #tpu.memory_space<vmem>>) target(%dma_start3A_733 : memref<512xf32, #tpu.memory_space<hbm>>) target_semaphore(%arg8 : memref<!tpu.dma_semaphore, #tpu.memory_space<semaphore_mem>>)
      %dma_start3A_736 = arith.constant 7168 : i32
      %dma_start3A_737 = tpu.memref_slice %arg7[%dma_start3A_736] : memref<8192xf32, #tpu.memory_space<vmem>> -> memref<512xf32, #tpu.memory_space<vmem>>
      %dma_start3A_738 = arith.constant 0 : i32
      %dma_start3A_739 = tpu.memref_slice %arg4[%add3A_591, %dma_start3A_738] : memref<512x512xf32, #tpu.memory_space<hbm>> -> memref<1x512xf32, #tpu.memory_space<hbm>>
      %dma_start3A_740 = tpu.memref_squeeze %dma_start3A_739 : memref<1x512xf32, #tpu.memory_space<hbm>> -> memref<512xf32, #tpu.memory_space<hbm>>
      %dma_start3A_741 = arith.constant 0 : i32
      %dma_start3A_742 = tpu.memref_slice %arg4[%add3A_591, %dma_start3A_741] : memref<512x512xf32, #tpu.memory_space<hbm>> -> memref<1x512xf32, #tpu.memory_space<hbm>>
      %dma_start3A_743 = tpu.memref_squeeze %dma_start3A_742 : memref<1x512xf32, #tpu.memory_space<hbm>> -> memref<512xf32, #tpu.memory_space<hbm>>
      %dma_start3A_744 = arith.constant 7168 : i32
      %dma_start3A_745 = tpu.memref_slice %arg7[%dma_start3A_744] : memref<8192xf32, #tpu.memory_space<vmem>> -> memref<512xf32, #tpu.memory_space<vmem>>
      tpu.enqueue_dma source(%dma_start3A_745 : memref<512xf32, #tpu.memory_space<vmem>>) target(%dma_start3A_743 : memref<512xf32, #tpu.memory_space<hbm>>) target_semaphore(%arg8 : memref<!tpu.dma_semaphore, #tpu.memory_space<semaphore_mem>>)
      %dma_start3A_746 = arith.constant 7680 : i32
      %dma_start3A_747 = tpu.memref_slice %arg7[%dma_start3A_746] : memref<8192xf32, #tpu.memory_space<vmem>> -> memref<512xf32, #tpu.memory_space<vmem>>
      %dma_start3A_748 = arith.constant 0 : i32
      %dma_start3A_749 = tpu.memref_slice %arg4[%add3A_595, %dma_start3A_748] : memref<512x512xf32, #tpu.memory_space<hbm>> -> memref<1x512xf32, #tpu.memory_space<hbm>>
      %dma_start3A_750 = tpu.memref_squeeze %dma_start3A_749 : memref<1x512xf32, #tpu.memory_space<hbm>> -> memref<512xf32, #tpu.memory_space<hbm>>
      %dma_start3A_751 = arith.constant 0 : i32
      %dma_start3A_752 = tpu.memref_slice %arg4[%add3A_595, %dma_start3A_751] : memref<512x512xf32, #tpu.memory_space<hbm>> -> memref<1x512xf32, #tpu.memory_space<hbm>>
      %dma_start3A_753 = tpu.memref_squeeze %dma_start3A_752 : memref<1x512xf32, #tpu.memory_space<hbm>> -> memref<512xf32, #tpu.memory_space<hbm>>
      %dma_start3A_754 = arith.constant 7680 : i32
      %dma_start3A_755 = tpu.memref_slice %arg7[%dma_start3A_754] : memref<8192xf32, #tpu.memory_space<vmem>> -> memref<512xf32, #tpu.memory_space<vmem>>
      tpu.enqueue_dma source(%dma_start3A_755 : memref<512xf32, #tpu.memory_space<vmem>>) target(%dma_start3A_753 : memref<512xf32, #tpu.memory_space<hbm>>) target_semaphore(%arg8 : memref<!tpu.dma_semaphore, #tpu.memory_space<semaphore_mem>>)
      %dma_wait3A_756 = arith.constant 0 : i32
      %dma_wait3A_757 = tpu.memref_slice %arg7[%dma_wait3A_756] : memref<8192xf32, #tpu.memory_space<vmem>> -> memref<512xf32, #tpu.memory_space<vmem>>
      %dma_wait3A_758 = arith.constant 0 : i32
      %dma_wait3A_759 = tpu.memref_slice %arg4[%add3A_535, %dma_wait3A_758] : memref<512x512xf32, #tpu.memory_space<hbm>> -> memref<1x512xf32, #tpu.memory_space<hbm>>
      %dma_wait3A_760 = tpu.memref_squeeze %dma_wait3A_759 : memref<1x512xf32, #tpu.memory_space<hbm>> -> memref<512xf32, #tpu.memory_space<hbm>>
      %dma_wait3A_761 = arith.constant 0 : i32
      %dma_wait3A_762 = tpu.memref_slice %arg4[%add3A_535, %dma_wait3A_761] : memref<512x512xf32, #tpu.memory_space<hbm>> -> memref<1x512xf32, #tpu.memory_space<hbm>>
      %dma_wait3A_763 = tpu.memref_squeeze %dma_wait3A_762 : memref<1x512xf32, #tpu.memory_space<hbm>> -> memref<512xf32, #tpu.memory_space<hbm>>
      %dma_wait3A_764 = arith.constant 0 : i32
      %dma_wait3A_765 = tpu.memref_slice %arg7[%dma_wait3A_764] : memref<8192xf32, #tpu.memory_space<vmem>> -> memref<512xf32, #tpu.memory_space<vmem>>
      tpu.wait_dma2 semaphore(%arg8 : memref<!tpu.dma_semaphore, #tpu.memory_space<semaphore_mem>>) src(%dma_wait3A_765 : memref<512xf32, #tpu.memory_space<vmem>>) dst(%dma_wait3A_763 : memref<512xf32, #tpu.memory_space<hbm>>)
      %dma_wait3A_766 = arith.constant 512 : i32
      %dma_wait3A_767 = tpu.memref_slice %arg7[%dma_wait3A_766] : memref<8192xf32, #tpu.memory_space<vmem>> -> memref<512xf32, #tpu.memory_space<vmem>>
      %dma_wait3A_768 = arith.constant 0 : i32
      %dma_wait3A_769 = tpu.memref_slice %arg4[%add3A_539, %dma_wait3A_768] : memref<512x512xf32, #tpu.memory_space<hbm>> -> memref<1x512xf32, #tpu.memory_space<hbm>>
      %dma_wait3A_770 = tpu.memref_squeeze %dma_wait3A_769 : memref<1x512xf32, #tpu.memory_space<hbm>> -> memref<512xf32, #tpu.memory_space<hbm>>
      %dma_wait3A_771 = arith.constant 0 : i32
      %dma_wait3A_772 = tpu.memref_slice %arg4[%add3A_539, %dma_wait3A_771] : memref<512x512xf32, #tpu.memory_space<hbm>> -> memref<1x512xf32, #tpu.memory_space<hbm>>
      %dma_wait3A_773 = tpu.memref_squeeze %dma_wait3A_772 : memref<1x512xf32, #tpu.memory_space<hbm>> -> memref<512xf32, #tpu.memory_space<hbm>>
      %dma_wait3A_774 = arith.constant 512 : i32
      %dma_wait3A_775 = tpu.memref_slice %arg7[%dma_wait3A_774] : memref<8192xf32, #tpu.memory_space<vmem>> -> memref<512xf32, #tpu.memory_space<vmem>>
      tpu.wait_dma2 semaphore(%arg8 : memref<!tpu.dma_semaphore, #tpu.memory_space<semaphore_mem>>) src(%dma_wait3A_775 : memref<512xf32, #tpu.memory_space<vmem>>) dst(%dma_wait3A_773 : memref<512xf32, #tpu.memory_space<hbm>>)
      %dma_wait3A_776 = arith.constant 1024 : i32
      %dma_wait3A_777 = tpu.memref_slice %arg7[%dma_wait3A_776] : memref<8192xf32, #tpu.memory_space<vmem>> -> memref<512xf32, #tpu.memory_space<vmem>>
      %dma_wait3A_778 = arith.constant 0 : i32
      %dma_wait3A_779 = tpu.memref_slice %arg4[%add3A_543, %dma_wait3A_778] : memref<512x512xf32, #tpu.memory_space<hbm>> -> memref<1x512xf32, #tpu.memory_space<hbm>>
      %dma_wait3A_780 = tpu.memref_squeeze %dma_wait3A_779 : memref<1x512xf32, #tpu.memory_space<hbm>> -> memref<512xf32, #tpu.memory_space<hbm>>
      %dma_wait3A_781 = arith.constant 0 : i32
      %dma_wait3A_782 = tpu.memref_slice %arg4[%add3A_543, %dma_wait3A_781] : memref<512x512xf32, #tpu.memory_space<hbm>> -> memref<1x512xf32, #tpu.memory_space<hbm>>
      %dma_wait3A_783 = tpu.memref_squeeze %dma_wait3A_782 : memref<1x512xf32, #tpu.memory_space<hbm>> -> memref<512xf32, #tpu.memory_space<hbm>>
      %dma_wait3A_784 = arith.constant 1024 : i32
      %dma_wait3A_785 = tpu.memref_slice %arg7[%dma_wait3A_784] : memref<8192xf32, #tpu.memory_space<vmem>> -> memref<512xf32, #tpu.memory_space<vmem>>
      tpu.wait_dma2 semaphore(%arg8 : memref<!tpu.dma_semaphore, #tpu.memory_space<semaphore_mem>>) src(%dma_wait3A_785 : memref<512xf32, #tpu.memory_space<vmem>>) dst(%dma_wait3A_783 : memref<512xf32, #tpu.memory_space<hbm>>)
      %dma_wait3A_786 = arith.constant 1536 : i32
      %dma_wait3A_787 = tpu.memref_slice %arg7[%dma_wait3A_786] : memref<8192xf32, #tpu.memory_space<vmem>> -> memref<512xf32, #tpu.memory_space<vmem>>
      %dma_wait3A_788 = arith.constant 0 : i32
      %dma_wait3A_789 = tpu.memref_slice %arg4[%add3A_547, %dma_wait3A_788] : memref<512x512xf32, #tpu.memory_space<hbm>> -> memref<1x512xf32, #tpu.memory_space<hbm>>
      %dma_wait3A_790 = tpu.memref_squeeze %dma_wait3A_789 : memref<1x512xf32, #tpu.memory_space<hbm>> -> memref<512xf32, #tpu.memory_space<hbm>>
      %dma_wait3A_791 = arith.constant 0 : i32
      %dma_wait3A_792 = tpu.memref_slice %arg4[%add3A_547, %dma_wait3A_791] : memref<512x512xf32, #tpu.memory_space<hbm>> -> memref<1x512xf32, #tpu.memory_space<hbm>>
      %dma_wait3A_793 = tpu.memref_squeeze %dma_wait3A_792 : memref<1x512xf32, #tpu.memory_space<hbm>> -> memref<512xf32, #tpu.memory_space<hbm>>
      %dma_wait3A_794 = arith.constant 1536 : i32
      %dma_wait3A_795 = tpu.memref_slice %arg7[%dma_wait3A_794] : memref<8192xf32, #tpu.memory_space<vmem>> -> memref<512xf32, #tpu.memory_space<vmem>>
      tpu.wait_dma2 semaphore(%arg8 : memref<!tpu.dma_semaphore, #tpu.memory_space<semaphore_mem>>) src(%dma_wait3A_795 : memref<512xf32, #tpu.memory_space<vmem>>) dst(%dma_wait3A_793 : memref<512xf32, #tpu.memory_space<hbm>>)
      %dma_wait3A_796 = arith.constant 2048 : i32
      %dma_wait3A_797 = tpu.memref_slice %arg7[%dma_wait3A_796] : memref<8192xf32, #tpu.memory_space<vmem>> -> memref<512xf32, #tpu.memory_space<vmem>>
      %dma_wait3A_798 = arith.constant 0 : i32
      %dma_wait3A_799 = tpu.memref_slice %arg4[%add3A_551, %dma_wait3A_798] : memref<512x512xf32, #tpu.memory_space<hbm>> -> memref<1x512xf32, #tpu.memory_space<hbm>>
      %dma_wait3A_800 = tpu.memref_squeeze %dma_wait3A_799 : memref<1x512xf32, #tpu.memory_space<hbm>> -> memref<512xf32, #tpu.memory_space<hbm>>
      %dma_wait3A_801 = arith.constant 0 : i32
      %dma_wait3A_802 = tpu.memref_slice %arg4[%add3A_551, %dma_wait3A_801] : memref<512x512xf32, #tpu.memory_space<hbm>> -> memref<1x512xf32, #tpu.memory_space<hbm>>
      %dma_wait3A_803 = tpu.memref_squeeze %dma_wait3A_802 : memref<1x512xf32, #tpu.memory_space<hbm>> -> memref<512xf32, #tpu.memory_space<hbm>>
      %dma_wait3A_804 = arith.constant 2048 : i32
      %dma_wait3A_805 = tpu.memref_slice %arg7[%dma_wait3A_804] : memref<8192xf32, #tpu.memory_space<vmem>> -> memref<512xf32, #tpu.memory_space<vmem>>
      tpu.wait_dma2 semaphore(%arg8 : memref<!tpu.dma_semaphore, #tpu.memory_space<semaphore_mem>>) src(%dma_wait3A_805 : memref<512xf32, #tpu.memory_space<vmem>>) dst(%dma_wait3A_803 : memref<512xf32, #tpu.memory_space<hbm>>)
      %dma_wait3A_806 = arith.constant 2560 : i32
      %dma_wait3A_807 = tpu.memref_slice %arg7[%dma_wait3A_806] : memref<8192xf32, #tpu.memory_space<vmem>> -> memref<512xf32, #tpu.memory_space<vmem>>
      %dma_wait3A_808 = arith.constant 0 : i32
      %dma_wait3A_809 = tpu.memref_slice %arg4[%add3A_555, %dma_wait3A_808] : memref<512x512xf32, #tpu.memory_space<hbm>> -> memref<1x512xf32, #tpu.memory_space<hbm>>
      %dma_wait3A_810 = tpu.memref_squeeze %dma_wait3A_809 : memref<1x512xf32, #tpu.memory_space<hbm>> -> memref<512xf32, #tpu.memory_space<hbm>>
      %dma_wait3A_811 = arith.constant 0 : i32
      %dma_wait3A_812 = tpu.memref_slice %arg4[%add3A_555, %dma_wait3A_811] : memref<512x512xf32, #tpu.memory_space<hbm>> -> memref<1x512xf32, #tpu.memory_space<hbm>>
      %dma_wait3A_813 = tpu.memref_squeeze %dma_wait3A_812 : memref<1x512xf32, #tpu.memory_space<hbm>> -> memref<512xf32, #tpu.memory_space<hbm>>
      %dma_wait3A_814 = arith.constant 2560 : i32
      %dma_wait3A_815 = tpu.memref_slice %arg7[%dma_wait3A_814] : memref<8192xf32, #tpu.memory_space<vmem>> -> memref<512xf32, #tpu.memory_space<vmem>>
      tpu.wait_dma2 semaphore(%arg8 : memref<!tpu.dma_semaphore, #tpu.memory_space<semaphore_mem>>) src(%dma_wait3A_815 : memref<512xf32, #tpu.memory_space<vmem>>) dst(%dma_wait3A_813 : memref<512xf32, #tpu.memory_space<hbm>>)
      %dma_wait3A_816 = arith.constant 3072 : i32
      %dma_wait3A_817 = tpu.memref_slice %arg7[%dma_wait3A_816] : memref<8192xf32, #tpu.memory_space<vmem>> -> memref<512xf32, #tpu.memory_space<vmem>>
      %dma_wait3A_818 = arith.constant 0 : i32
      %dma_wait3A_819 = tpu.memref_slice %arg4[%add3A_559, %dma_wait3A_818] : memref<512x512xf32, #tpu.memory_space<hbm>> -> memref<1x512xf32, #tpu.memory_space<hbm>>
      %dma_wait3A_820 = tpu.memref_squeeze %dma_wait3A_819 : memref<1x512xf32, #tpu.memory_space<hbm>> -> memref<512xf32, #tpu.memory_space<hbm>>
      %dma_wait3A_821 = arith.constant 0 : i32
      %dma_wait3A_822 = tpu.memref_slice %arg4[%add3A_559, %dma_wait3A_821] : memref<512x512xf32, #tpu.memory_space<hbm>> -> memref<1x512xf32, #tpu.memory_space<hbm>>
      %dma_wait3A_823 = tpu.memref_squeeze %dma_wait3A_822 : memref<1x512xf32, #tpu.memory_space<hbm>> -> memref<512xf32, #tpu.memory_space<hbm>>
      %dma_wait3A_824 = arith.constant 3072 : i32
      %dma_wait3A_825 = tpu.memref_slice %arg7[%dma_wait3A_824] : memref<8192xf32, #tpu.memory_space<vmem>> -> memref<512xf32, #tpu.memory_space<vmem>>
      tpu.wait_dma2 semaphore(%arg8 : memref<!tpu.dma_semaphore, #tpu.memory_space<semaphore_mem>>) src(%dma_wait3A_825 : memref<512xf32, #tpu.memory_space<vmem>>) dst(%dma_wait3A_823 : memref<512xf32, #tpu.memory_space<hbm>>)
      %dma_wait3A_826 = arith.constant 3584 : i32
      %dma_wait3A_827 = tpu.memref_slice %arg7[%dma_wait3A_826] : memref<8192xf32, #tpu.memory_space<vmem>> -> memref<512xf32, #tpu.memory_space<vmem>>
      %dma_wait3A_828 = arith.constant 0 : i32
      %dma_wait3A_829 = tpu.memref_slice %arg4[%add3A_563, %dma_wait3A_828] : memref<512x512xf32, #tpu.memory_space<hbm>> -> memref<1x512xf32, #tpu.memory_space<hbm>>
      %dma_wait3A_830 = tpu.memref_squeeze %dma_wait3A_829 : memref<1x512xf32, #tpu.memory_space<hbm>> -> memref<512xf32, #tpu.memory_space<hbm>>
      %dma_wait3A_831 = arith.constant 0 : i32
      %dma_wait3A_832 = tpu.memref_slice %arg4[%add3A_563, %dma_wait3A_831] : memref<512x512xf32, #tpu.memory_space<hbm>> -> memref<1x512xf32, #tpu.memory_space<hbm>>
      %dma_wait3A_833 = tpu.memref_squeeze %dma_wait3A_832 : memref<1x512xf32, #tpu.memory_space<hbm>> -> memref<512xf32, #tpu.memory_space<hbm>>
      %dma_wait3A_834 = arith.constant 3584 : i32
      %dma_wait3A_835 = tpu.memref_slice %arg7[%dma_wait3A_834] : memref<8192xf32, #tpu.memory_space<vmem>> -> memref<512xf32, #tpu.memory_space<vmem>>
      tpu.wait_dma2 semaphore(%arg8 : memref<!tpu.dma_semaphore, #tpu.memory_space<semaphore_mem>>) src(%dma_wait3A_835 : memref<512xf32, #tpu.memory_space<vmem>>) dst(%dma_wait3A_833 : memref<512xf32, #tpu.memory_space<hbm>>)
      %dma_wait3A_836 = arith.constant 4096 : i32
      %dma_wait3A_837 = tpu.memref_slice %arg7[%dma_wait3A_836] : memref<8192xf32, #tpu.memory_space<vmem>> -> memref<512xf32, #tpu.memory_space<vmem>>
      %dma_wait3A_838 = arith.constant 0 : i32
      %dma_wait3A_839 = tpu.memref_slice %arg4[%add3A_567, %dma_wait3A_838] : memref<512x512xf32, #tpu.memory_space<hbm>> -> memref<1x512xf32, #tpu.memory_space<hbm>>
      %dma_wait3A_840 = tpu.memref_squeeze %dma_wait3A_839 : memref<1x512xf32, #tpu.memory_space<hbm>> -> memref<512xf32, #tpu.memory_space<hbm>>
      %dma_wait3A_841 = arith.constant 0 : i32
      %dma_wait3A_842 = tpu.memref_slice %arg4[%add3A_567, %dma_wait3A_841] : memref<512x512xf32, #tpu.memory_space<hbm>> -> memref<1x512xf32, #tpu.memory_space<hbm>>
      %dma_wait3A_843 = tpu.memref_squeeze %dma_wait3A_842 : memref<1x512xf32, #tpu.memory_space<hbm>> -> memref<512xf32, #tpu.memory_space<hbm>>
      %dma_wait3A_844 = arith.constant 4096 : i32
      %dma_wait3A_845 = tpu.memref_slice %arg7[%dma_wait3A_844] : memref<8192xf32, #tpu.memory_space<vmem>> -> memref<512xf32, #tpu.memory_space<vmem>>
      tpu.wait_dma2 semaphore(%arg8 : memref<!tpu.dma_semaphore, #tpu.memory_space<semaphore_mem>>) src(%dma_wait3A_845 : memref<512xf32, #tpu.memory_space<vmem>>) dst(%dma_wait3A_843 : memref<512xf32, #tpu.memory_space<hbm>>)
      %dma_wait3A_846 = arith.constant 4608 : i32
      %dma_wait3A_847 = tpu.memref_slice %arg7[%dma_wait3A_846] : memref<8192xf32, #tpu.memory_space<vmem>> -> memref<512xf32, #tpu.memory_space<vmem>>
      %dma_wait3A_848 = arith.constant 0 : i32
      %dma_wait3A_849 = tpu.memref_slice %arg4[%add3A_571, %dma_wait3A_848] : memref<512x512xf32, #tpu.memory_space<hbm>> -> memref<1x512xf32, #tpu.memory_space<hbm>>
      %dma_wait3A_850 = tpu.memref_squeeze %dma_wait3A_849 : memref<1x512xf32, #tpu.memory_space<hbm>> -> memref<512xf32, #tpu.memory_space<hbm>>
      %dma_wait3A_851 = arith.constant 0 : i32
      %dma_wait3A_852 = tpu.memref_slice %arg4[%add3A_571, %dma_wait3A_851] : memref<512x512xf32, #tpu.memory_space<hbm>> -> memref<1x512xf32, #tpu.memory_space<hbm>>
      %dma_wait3A_853 = tpu.memref_squeeze %dma_wait3A_852 : memref<1x512xf32, #tpu.memory_space<hbm>> -> memref<512xf32, #tpu.memory_space<hbm>>
      %dma_wait3A_854 = arith.constant 4608 : i32
      %dma_wait3A_855 = tpu.memref_slice %arg7[%dma_wait3A_854] : memref<8192xf32, #tpu.memory_space<vmem>> -> memref<512xf32, #tpu.memory_space<vmem>>
      tpu.wait_dma2 semaphore(%arg8 : memref<!tpu.dma_semaphore, #tpu.memory_space<semaphore_mem>>) src(%dma_wait3A_855 : memref<512xf32, #tpu.memory_space<vmem>>) dst(%dma_wait3A_853 : memref<512xf32, #tpu.memory_space<hbm>>)
      %dma_wait3A_856 = arith.constant 5120 : i32
      %dma_wait3A_857 = tpu.memref_slice %arg7[%dma_wait3A_856] : memref<8192xf32, #tpu.memory_space<vmem>> -> memref<512xf32, #tpu.memory_space<vmem>>
      %dma_wait3A_858 = arith.constant 0 : i32
      %dma_wait3A_859 = tpu.memref_slice %arg4[%add3A_575, %dma_wait3A_858] : memref<512x512xf32, #tpu.memory_space<hbm>> -> memref<1x512xf32, #tpu.memory_space<hbm>>
      %dma_wait3A_860 = tpu.memref_squeeze %dma_wait3A_859 : memref<1x512xf32, #tpu.memory_space<hbm>> -> memref<512xf32, #tpu.memory_space<hbm>>
      %dma_wait3A_861 = arith.constant 0 : i32
      %dma_wait3A_862 = tpu.memref_slice %arg4[%add3A_575, %dma_wait3A_861] : memref<512x512xf32, #tpu.memory_space<hbm>> -> memref<1x512xf32, #tpu.memory_space<hbm>>
      %dma_wait3A_863 = tpu.memref_squeeze %dma_wait3A_862 : memref<1x512xf32, #tpu.memory_space<hbm>> -> memref<512xf32, #tpu.memory_space<hbm>>
      %dma_wait3A_864 = arith.constant 5120 : i32
      %dma_wait3A_865 = tpu.memref_slice %arg7[%dma_wait3A_864] : memref<8192xf32, #tpu.memory_space<vmem>> -> memref<512xf32, #tpu.memory_space<vmem>>
      tpu.wait_dma2 semaphore(%arg8 : memref<!tpu.dma_semaphore, #tpu.memory_space<semaphore_mem>>) src(%dma_wait3A_865 : memref<512xf32, #tpu.memory_space<vmem>>) dst(%dma_wait3A_863 : memref<512xf32, #tpu.memory_space<hbm>>)
      %dma_wait3A_866 = arith.constant 5632 : i32
      %dma_wait3A_867 = tpu.memref_slice %arg7[%dma_wait3A_866] : memref<8192xf32, #tpu.memory_space<vmem>> -> memref<512xf32, #tpu.memory_space<vmem>>
      %dma_wait3A_868 = arith.constant 0 : i32
      %dma_wait3A_869 = tpu.memref_slice %arg4[%add3A_579, %dma_wait3A_868] : memref<512x512xf32, #tpu.memory_space<hbm>> -> memref<1x512xf32, #tpu.memory_space<hbm>>
      %dma_wait3A_870 = tpu.memref_squeeze %dma_wait3A_869 : memref<1x512xf32, #tpu.memory_space<hbm>> -> memref<512xf32, #tpu.memory_space<hbm>>
      %dma_wait3A_871 = arith.constant 0 : i32
      %dma_wait3A_872 = tpu.memref_slice %arg4[%add3A_579, %dma_wait3A_871] : memref<512x512xf32, #tpu.memory_space<hbm>> -> memref<1x512xf32, #tpu.memory_space<hbm>>
      %dma_wait3A_873 = tpu.memref_squeeze %dma_wait3A_872 : memref<1x512xf32, #tpu.memory_space<hbm>> -> memref<512xf32, #tpu.memory_space<hbm>>
      %dma_wait3A_874 = arith.constant 5632 : i32
      %dma_wait3A_875 = tpu.memref_slice %arg7[%dma_wait3A_874] : memref<8192xf32, #tpu.memory_space<vmem>> -> memref<512xf32, #tpu.memory_space<vmem>>
      tpu.wait_dma2 semaphore(%arg8 : memref<!tpu.dma_semaphore, #tpu.memory_space<semaphore_mem>>) src(%dma_wait3A_875 : memref<512xf32, #tpu.memory_space<vmem>>) dst(%dma_wait3A_873 : memref<512xf32, #tpu.memory_space<hbm>>)
      %dma_wait3A_876 = arith.constant 6144 : i32
      %dma_wait3A_877 = tpu.memref_slice %arg7[%dma_wait3A_876] : memref<8192xf32, #tpu.memory_space<vmem>> -> memref<512xf32, #tpu.memory_space<vmem>>
      %dma_wait3A_878 = arith.constant 0 : i32
      %dma_wait3A_879 = tpu.memref_slice %arg4[%add3A_583, %dma_wait3A_878] : memref<512x512xf32, #tpu.memory_space<hbm>> -> memref<1x512xf32, #tpu.memory_space<hbm>>
      %dma_wait3A_880 = tpu.memref_squeeze %dma_wait3A_879 : memref<1x512xf32, #tpu.memory_space<hbm>> -> memref<512xf32, #tpu.memory_space<hbm>>
      %dma_wait3A_881 = arith.constant 0 : i32
      %dma_wait3A_882 = tpu.memref_slice %arg4[%add3A_583, %dma_wait3A_881] : memref<512x512xf32, #tpu.memory_space<hbm>> -> memref<1x512xf32, #tpu.memory_space<hbm>>
      %dma_wait3A_883 = tpu.memref_squeeze %dma_wait3A_882 : memref<1x512xf32, #tpu.memory_space<hbm>> -> memref<512xf32, #tpu.memory_space<hbm>>
      %dma_wait3A_884 = arith.constant 6144 : i32
      %dma_wait3A_885 = tpu.memref_slice %arg7[%dma_wait3A_884] : memref<8192xf32, #tpu.memory_space<vmem>> -> memref<512xf32, #tpu.memory_space<vmem>>
      tpu.wait_dma2 semaphore(%arg8 : memref<!tpu.dma_semaphore, #tpu.memory_space<semaphore_mem>>) src(%dma_wait3A_885 : memref<512xf32, #tpu.memory_space<vmem>>) dst(%dma_wait3A_883 : memref<512xf32, #tpu.memory_space<hbm>>)
      %dma_wait3A_886 = arith.constant 6656 : i32
      %dma_wait3A_887 = tpu.memref_slice %arg7[%dma_wait3A_886] : memref<8192xf32, #tpu.memory_space<vmem>> -> memref<512xf32, #tpu.memory_space<vmem>>
      %dma_wait3A_888 = arith.constant 0 : i32
      %dma_wait3A_889 = tpu.memref_slice %arg4[%add3A_587, %dma_wait3A_888] : memref<512x512xf32, #tpu.memory_space<hbm>> -> memref<1x512xf32, #tpu.memory_space<hbm>>
      %dma_wait3A_890 = tpu.memref_squeeze %dma_wait3A_889 : memref<1x512xf32, #tpu.memory_space<hbm>> -> memref<512xf32, #tpu.memory_space<hbm>>
      %dma_wait3A_891 = arith.constant 0 : i32
      %dma_wait3A_892 = tpu.memref_slice %arg4[%add3A_587, %dma_wait3A_891] : memref<512x512xf32, #tpu.memory_space<hbm>> -> memref<1x512xf32, #tpu.memory_space<hbm>>
      %dma_wait3A_893 = tpu.memref_squeeze %dma_wait3A_892 : memref<1x512xf32, #tpu.memory_space<hbm>> -> memref<512xf32, #tpu.memory_space<hbm>>
      %dma_wait3A_894 = arith.constant 6656 : i32
      %dma_wait3A_895 = tpu.memref_slice %arg7[%dma_wait3A_894] : memref<8192xf32, #tpu.memory_space<vmem>> -> memref<512xf32, #tpu.memory_space<vmem>>
      tpu.wait_dma2 semaphore(%arg8 : memref<!tpu.dma_semaphore, #tpu.memory_space<semaphore_mem>>) src(%dma_wait3A_895 : memref<512xf32, #tpu.memory_space<vmem>>) dst(%dma_wait3A_893 : memref<512xf32, #tpu.memory_space<hbm>>)
      %dma_wait3A_896 = arith.constant 7168 : i32
      %dma_wait3A_897 = tpu.memref_slice %arg7[%dma_wait3A_896] : memref<8192xf32, #tpu.memory_space<vmem>> -> memref<512xf32, #tpu.memory_space<vmem>>
      %dma_wait3A_898 = arith.constant 0 : i32
      %dma_wait3A_899 = tpu.memref_slice %arg4[%add3A_591, %dma_wait3A_898] : memref<512x512xf32, #tpu.memory_space<hbm>> -> memref<1x512xf32, #tpu.memory_space<hbm>>
      %dma_wait3A_900 = tpu.memref_squeeze %dma_wait3A_899 : memref<1x512xf32, #tpu.memory_space<hbm>> -> memref<512xf32, #tpu.memory_space<hbm>>
      %dma_wait3A_901 = arith.constant 0 : i32
      %dma_wait3A_902 = tpu.memref_slice %arg4[%add3A_591, %dma_wait3A_901] : memref<512x512xf32, #tpu.memory_space<hbm>> -> memref<1x512xf32, #tpu.memory_space<hbm>>
      %dma_wait3A_903 = tpu.memref_squeeze %dma_wait3A_902 : memref<1x512xf32, #tpu.memory_space<hbm>> -> memref<512xf32, #tpu.memory_space<hbm>>
      %dma_wait3A_904 = arith.constant 7168 : i32
      %dma_wait3A_905 = tpu.memref_slice %arg7[%dma_wait3A_904] : memref<8192xf32, #tpu.memory_space<vmem>> -> memref<512xf32, #tpu.memory_space<vmem>>
      tpu.wait_dma2 semaphore(%arg8 : memref<!tpu.dma_semaphore, #tpu.memory_space<semaphore_mem>>) src(%dma_wait3A_905 : memref<512xf32, #tpu.memory_space<vmem>>) dst(%dma_wait3A_903 : memref<512xf32, #tpu.memory_space<hbm>>)
      %dma_wait3A_906 = arith.constant 7680 : i32
      %dma_wait3A_907 = tpu.memref_slice %arg7[%dma_wait3A_906] : memref<8192xf32, #tpu.memory_space<vmem>> -> memref<512xf32, #tpu.memory_space<vmem>>
      %dma_wait3A_908 = arith.constant 0 : i32
      %dma_wait3A_909 = tpu.memref_slice %arg4[%add3A_595, %dma_wait3A_908] : memref<512x512xf32, #tpu.memory_space<hbm>> -> memref<1x512xf32, #tpu.memory_space<hbm>>
      %dma_wait3A_910 = tpu.memref_squeeze %dma_wait3A_909 : memref<1x512xf32, #tpu.memory_space<hbm>> -> memref<512xf32, #tpu.memory_space<hbm>>
      %dma_wait3A_911 = arith.constant 0 : i32
      %dma_wait3A_912 = tpu.memref_slice %arg4[%add3A_595, %dma_wait3A_911] : memref<512x512xf32, #tpu.memory_space<hbm>> -> memref<1x512xf32, #tpu.memory_space<hbm>>
      %dma_wait3A_913 = tpu.memref_squeeze %dma_wait3A_912 : memref<1x512xf32, #tpu.memory_space<hbm>> -> memref<512xf32, #tpu.memory_space<hbm>>
      %dma_wait3A_914 = arith.constant 7680 : i32
      %dma_wait3A_915 = tpu.memref_slice %arg7[%dma_wait3A_914] : memref<8192xf32, #tpu.memory_space<vmem>> -> memref<512xf32, #tpu.memory_space<vmem>>
      tpu.wait_dma2 semaphore(%arg8 : memref<!tpu.dma_semaphore, #tpu.memory_space<semaphore_mem>>) src(%dma_wait3A_915 : memref<512xf32, #tpu.memory_space<vmem>>) dst(%dma_wait3A_913 : memref<512xf32, #tpu.memory_space<hbm>>)
    } else {
    }
    return
  }
}

module attributes {stable_mosaic.version = 14 : i64} {
  func.func @_pack_table_body(%arg0: i32, %arg1: memref<1x1xf32, #tpu.memory_space<smem>>, %arg2: memref<1x1xf32, #tpu.memory_space<smem>>, %arg3: memref<1x1xf32, #tpu.memory_space<smem>>, %arg4: memref<100352xf32, #tpu.memory_space<vmem>>, %arg5: memref<100352xf32, #tpu.memory_space<vmem>>, %arg6: memref<100352xf32, #tpu.memory_space<vmem>>, %arg7: memref<100352xf32, #tpu.memory_space<vmem>>, %arg8: memref<100352xi32, #tpu.memory_space<vmem>>) attributes {dimension_semantics = [#tpu.dimension_semantics<arbitrary>], iteration_bounds = array<i64: 2>, scalar_prefetch = 0 : i64, scratch_operands = 0 : i64, tpu.core_type = #tpu.core_type<tc>, window_params = [{transform_indices = @transform_0, window_bounds = array<i64: 1, 1>}, {transform_indices = @transform_1, window_bounds = array<i64: 1, 1>}, {transform_indices = @transform_2, window_bounds = array<i64: 1, 1>}, {transform_indices = @transform_3, window_bounds = array<i64: 100352>}, {transform_indices = @transform_4, window_bounds = array<i64: 100352>}, {transform_indices = @transform_5, window_bounds = array<i64: 100352>}, {transform_indices = @transform_6, window_bounds = array<i64: 100352>}, {pipeline_mode = #tpu.pipeline_mode<synchronous>, transform_indices = @transform_7, window_bounds = array<i64: 100352>}]} {
    %get3A = arith.constant 0 : index
    %get3A_0 = vector.load %arg4[%get3A] : memref<100352xf32, #tpu.memory_space<vmem>>, vector<100352xf32>
    %get3A_1 = arith.constant 0 : index
    %get3A_2 = arith.constant 0 : index
    %get3A_3 = memref.load %arg1[%get3A_1, %get3A_2] : memref<1x1xf32, #tpu.memory_space<smem>>
    %sub3A = vector.broadcast %get3A_3 : f32 to vector<100352xf32>
    %sub3A_4 = arith.subf %get3A_0, %sub3A : vector<100352xf32>
    %get3A_5 = arith.constant 0 : index
    %get3A_6 = vector.load %arg5[%get3A_5] : memref<100352xf32, #tpu.memory_space<vmem>>, vector<100352xf32>
    %get3A_7 = arith.constant 0 : index
    %get3A_8 = arith.constant 0 : index
    %get3A_9 = memref.load %arg2[%get3A_7, %get3A_8] : memref<1x1xf32, #tpu.memory_space<smem>>
    %sub3A_10 = vector.broadcast %get3A_9 : f32 to vector<100352xf32>
    %sub3A_11 = arith.subf %get3A_6, %sub3A_10 : vector<100352xf32>
    %min3A = arith.minimumf %sub3A_4, %sub3A_11 : vector<100352xf32>
    %get3A_12 = arith.constant 0 : index
    %get3A_13 = vector.load %arg6[%get3A_12] : memref<100352xf32, #tpu.memory_space<vmem>>, vector<100352xf32>
    %get3A_14 = arith.constant 0 : index
    %get3A_15 = arith.constant 0 : index
    %get3A_16 = memref.load %arg3[%get3A_14, %get3A_15] : memref<1x1xf32, #tpu.memory_space<smem>>
    %sub3A_17 = vector.broadcast %get3A_16 : f32 to vector<100352xf32>
    %sub3A_18 = arith.subf %get3A_13, %sub3A_17 : vector<100352xf32>
    %min3A_19 = arith.minimumf %min3A, %sub3A_18 : vector<100352xf32>
    %mul3A = arith.constant 1.000000e+02 : f32
    %mul3A_20 = vector.broadcast %mul3A : f32 to vector<100352xf32>
    %mul3A_21 = arith.mulf %mul3A_20, %min3A_19 : vector<100352xf32>
    %logistic3A = arith.negf %mul3A_21 : vector<100352xf32>
    %logistic3A_22 = math.exp %logistic3A : vector<100352xf32>
    %logistic3A_23 = arith.constant 1.000000e+00 : f32
    %logistic3A_24 = vector.broadcast %logistic3A_23 : f32 to vector<100352xf32>
    %logistic3A_25 = arith.addf %logistic3A_24, %logistic3A_22 : vector<100352xf32>
    %logistic3A_26 = arith.divf %logistic3A_24, %logistic3A_25 : vector<100352xf32>
    %get3A_27 = arith.constant 0 : index
    %get3A_28 = vector.load %arg7[%get3A_27] : memref<100352xf32, #tpu.memory_space<vmem>>, vector<100352xf32>
    %mul3A_29 = arith.mulf %logistic3A_26, %get3A_28 : vector<100352xf32>
    %bitcast_convert_type3A = tpu.bitcast %mul3A_29 : vector<100352xf32> -> vector<100352xi32>
    %add3A = arith.constant 32767 : i32
    %add3A_30 = vector.broadcast %add3A : i32 to vector<100352xi32>
    %add3A_31 = arith.addi %bitcast_convert_type3A, %add3A_30 : vector<100352xi32>
    %shift_right_arithmetic3A = arith.constant 16 : i32
    %shift_right_arithmetic3A_32 = vector.broadcast %shift_right_arithmetic3A : i32 to vector<100352xi32>
    %shift_right_arithmetic3A_33 = arith.shrsi %bitcast_convert_type3A, %shift_right_arithmetic3A_32 : vector<100352xi32>
    %and3A = arith.constant 1 : i32
    %and3A_34 = vector.broadcast %and3A : i32 to vector<100352xi32>
    %and3A_35 = arith.andi %shift_right_arithmetic3A_33, %and3A_34 : vector<100352xi32>
    %add3A_36 = arith.addi %add3A_31, %and3A_35 : vector<100352xi32>
    %shift_right_arithmetic3A_37 = arith.constant 16 : i32
    %shift_right_arithmetic3A_38 = vector.broadcast %shift_right_arithmetic3A_37 : i32 to vector<100352xi32>
    %shift_right_arithmetic3A_39 = arith.shrsi %add3A_36, %shift_right_arithmetic3A_38 : vector<100352xi32>
    %eq3A = arith.constant 0 : i32
    %eq3A_40 = arith.cmpi eq, %arg0, %eq3A : i32
    %convert_element_type3A = arith.extui %eq3A_40 : i1 to i32
    %cond3A = arith.constant 0 : i32
    %cond3A_41 = arith.cmpi ne, %convert_element_type3A, %cond3A : i32
    scf.if %cond3A_41 {
      %swap3A = arith.constant 0 : index
      %swap3A_47 = vector.load %arg8[%swap3A] : memref<100352xi32, #tpu.memory_space<vmem>>, vector<100352xi32>
      tpu.vector_store %arg8[%swap3A], %shift_right_arithmetic3A_39 {strides = array<i32>} : memref<100352xi32, #tpu.memory_space<vmem>>, vector<100352xi32>,
    } else {
    }
    %eq3A_42 = arith.constant 1 : i32
    %eq3A_43 = arith.cmpi eq, %arg0, %eq3A_42 : i32
    %convert_element_type3A_44 = arith.extui %eq3A_43 : i1 to i32
    %cond3A_45 = arith.constant 0 : i32
    %cond3A_46 = arith.cmpi ne, %convert_element_type3A_44, %cond3A_45 : i32
    scf.if %cond3A_46 {
      %get3A_47 = arith.constant 0 : index
      %get3A_48 = vector.load %arg8[%get3A_47] : memref<100352xi32, #tpu.memory_space<vmem>>, vector<100352xi32>
      %shift_left3A = arith.constant 16 : i32
      %shift_left3A_49 = vector.broadcast %shift_left3A : i32 to vector<100352xi32>
      %shift_left3A_50 = arith.shli %shift_right_arithmetic3A_39, %shift_left3A_49 : vector<100352xi32>
      %or3A = arith.ori %get3A_48, %shift_left3A_50 : vector<100352xi32>
      %swap3A = arith.constant 0 : index
      %swap3A_51 = vector.load %arg8[%swap3A] : memref<100352xi32, #tpu.memory_space<vmem>>, vector<100352xi32>
      tpu.vector_store %arg8[%swap3A], %or3A {strides = array<i32>} : memref<100352xi32, #tpu.memory_space<vmem>>, vector<100352xi32>,
    } else {
    }
    return
  }
  func.func @transform_0(%arg0: i32) -> (i32, i32) {
    %c0_i32 = arith.constant 0 : i32
    %c0_i32_0 = arith.constant 0 : i32
    %c0_i32_1 = arith.constant 0 : i32
    return %c0_i32, %c0_i32_0 : i32, i32
  }
  func.func @transform_1(%arg0: i32) -> (i32, i32) {
    %c0_i32 = arith.constant 0 : i32
    %c0_i32_0 = arith.constant 0 : i32
    %c0_i32_1 = arith.constant 0 : i32
    return %c0_i32, %c0_i32_0 : i32, i32
  }
  func.func @transform_2(%arg0: i32) -> (i32, i32) {
    %c0_i32 = arith.constant 0 : i32
    %c0_i32_0 = arith.constant 0 : i32
    %c0_i32_1 = arith.constant 0 : i32
    return %c0_i32, %c0_i32_0 : i32, i32
  }
  func.func @transform_3(%arg0: i32) -> i32 {
    %c0_i32 = arith.constant 0 : i32
    return %arg0 : i32
  }
  func.func @transform_4(%arg0: i32) -> i32 {
    %c0_i32 = arith.constant 0 : i32
    return %arg0 : i32
  }
  func.func @transform_5(%arg0: i32) -> i32 {
    %c0_i32 = arith.constant 0 : i32
    return %arg0 : i32
  }
  func.func @transform_6(%arg0: i32) -> i32 {
    %c0_i32 = arith.constant 0 : i32
    return %arg0 : i32
  }
  func.func @transform_7(%arg0: i32) -> i32 {
    %c0_i32 = arith.constant 0 : i32
    %c0_i32_0 = arith.constant 0 : i32
    return %c0_i32 : i32
  }
}

</mosaic_0001>

<sc_bundles>
// kernel: kernel.4.cloned.1.call-start
scs
__scs_entry_jumppad:
0x0: {  	(pc) =	sbr.rel $0x88, $3  }
0x1: {  	(tag) =	ssettag $0x0;
	lr =	simm.s32 $0x1  }
0x2: {  	[smem:$0x3F99] =	sst lr;
	_ =	strace $0xD0000000  }
0x3: {  	_ = 	snop  }
0x4: {  	_ = 	snop  }
0x5: {  	_ = 	snop  }
0x6: {  	_ = 	snop  }
0x7: {  	_ = 	snop  }
__scs_overlays_trampoline_lowered:
0x8: {  	[smem:$0x3FA8] =	sst s0  }
0x9: {  	[smem:$0x3FA9] =	sst s1  }
0xa: {  	[smem:$0x3FAA] =	sst s2  }
0xb: {  	[smem:$0x3FAB] =	sst s3  }
0xc: {  	[smem:$0x3FAC] =	sst s4  }
0xd: {  	[smem:$0x3FAD] =	sst s5  }
0xe: {  	[smem:$0x3FAE] =	sst s6  }
0xf: {  	[smem:$0x3FAF] =	sst s7  }
0x10: {  	[smem:$0x3FB0] =	sst s8  }
0x11: {  	[smem:$0x3FB1] =	sst s9;
	s0 =	simm.s32 @!p0 $0x0  }
0x12: {  	s1 =	sld [smem:$0x3F97];
	s0 =	simm.s32 @p0 $0x1  }
0x13: {  	[smem:$0x3FB2] =	sst s0;
	s0 =	simm.s32 @!p1 $0x0  }
0x14: {  	s2 =	sld [smem:$0x3F96];
	s0 =	simm.s32 @p1 $0x1  }
0x15: {  	[smem:$0x3FB3] =	sst s0;
	s0 =	simm.s32 @!p2 $0x0  }
0x16: {  	s3 =	sld [smem:$0x3FDB];
	s0 =	simm.s32 @p2 $0x1  }
0x17: {  	s4 =	simm.s32 $0x1BF5;
	[smem:$0x3FB5] =	sst s0  }
0x18: {  	s0 =	sld [smem:$0x3F98];
	_ =	swait.ge [sflag:s4], $0x0  }
0x19: {  	s7 =	sld [smem:$0x3F99]  }
0x1a: {  	s8 =	sadd.s32 $0xFFFFE003, lr  }
0x1b: {  	s9 =	sadd.s32 $0xFFFFFEF7, lr;
	s5 =	simm.s32 $0xFFFFFFFF;
	p2 =	slt.u32 s8, $0xFFFFF086  }
0x1c: {  	p1 =	slt.u32 s9, $0xF7A;
	s5 =	simm.s32 @!p2 $0x0  }
0x1d: {  	s5 =	simm.s32 @p1 $0x1;
	p0 =	seq.s32 s7, s2  }
0x1e: {  	s7 =	smul.u32 @!p0 $0xF7A, s2;
	p2 =	seq.s32 @!p0 s5, $0x0  }
0x1f: {  	s9 =	smul.u32 $0xF7A, s1;
	s8 =	simm.s32 @!p0 $0x1BF5;
	p2 =	por !p2, p0  }
0x20: {  	[sflag:s8] =	ssyncset.s32 @!p0 $0xFFFFF086;
	s6 =	sadd.s32 @!p0 s3, s7;
	s7 =	simm.s32 @!p0 $0x108  }
0x21: {  	s3 =	sadd.s32 s3, s9;
	s6 =	sadd.s32 @!p0 $0x88, s6;
	s7 =	simm.s32 @p2 $0x1082  }
0x22: {  	[simem:s7], [sflag:s8] =	dma.local @!p0 [hbm:s6], $0xF7A  }
0x23: {  	s9 =	sor.u32 $0xD0000000, s2;
	s6 =	simm.s32 $0x108;
	_ =	swait.ge @!p0 [sflag:s8], $0x0  }
0x24: {  	s3 =	sadd.s32 $0x88, s3;
	s6 =	simm.s32 @!p1 $0x1082;
	[sflag:s4] =	ssyncset.s32 $0xFFFFF086  }
0x25: {  	[simem:s6], [sflag:s4] =	dma.local [hbm:s3], $0xF7A  }
0x26: {  	[smem:$0x3F99] =	sst s1;
	(tag) =	ssettag s2;
	_ =	strace s9  }
0x27: {  	s1 =	sld [smem:$0x3FA9]  }
0x28: {  	s2 =	sld [smem:$0x3FAA]  }
0x29: {  	s4 =	sld [smem:$0x3FAC]  }
0x2a: {  	p0 =	seq.s32 s5, $0x0;
	s5 =	sld [smem:$0x3FAD]  }
0x2b: {  	s6 =	sld [smem:$0x3FAE]  }
0x2c: {  	s7 =	sld [smem:$0x3FAF]  }
0x2d: {  	s3 =	simm.s32 $0x108;
	s8 =	sld [smem:$0x3FB0]  }
0x2e: {  	s3 =	simm.s32 @!p0 $0x1082;
	s9 =	sld [smem:$0x3FB1]  }
0x2f: {  	lr =	sadd.s32 s0, s3;
	s0 =	sld [smem:$0x3FA8]  }
0x30: {  	s3 =	sld [smem:$0x3FAB]  }
0x31: {  	[smem:$0x3FB4] =	sst s10  }
0x32: {  	s10 =	sld [smem:$0x3FB2];
	_ =	sdelay $0x3  }
0x33: {  	p0 =	seq.s32 s10, $0x1;
	s10 =	sld [smem:$0x3FB4];
	_ =	sdelay $0x3  }
0x34: {  	[smem:$0x3FB4] =	sst s10  }
0x35: {  	s10 =	sld [smem:$0x3FB3];
	_ =	sdelay $0x3  }
0x36: {  	p1 =	seq.s32 s10, $0x1;
	s10 =	sld [smem:$0x3FB4];
	_ =	sdelay $0x3  }
0x37: {  	[smem:$0x3FB4] =	sst s10  }
0x38: {  	s10 =	sld [smem:$0x3FB5]  }
0x39: {  	_ = 	snop;
	(pc) =	sbr.ind lr, $3  }
0x3a: {  	_ = 	snop  }
0x3b: {  	_ = 	snop  }
0x3c: {  	p2 =	seq.s32 s10, $0x1;
	s10 =	sld [smem:$0x3FB4]  }
0x3d: {  	_ =	shalt  }
0x3e: {  	_ =	shalt  }
0x3f: {  	_ =	shalt  }
0x40: {  	_ =	shalt  }
0x41: {  	_ =	shalt  }
0x42: {  	_ =	shalt  }
0x43: {  	_ =	shalt  }
0x44: {  	_ =	shalt  }
0x45: {  	_ =	shalt  }
0x46: {  	_ =	shalt  }
0x47: {  	_ =	shalt  }
0x48: {  	_ =	shalt  }
0x49: {  	_ =	shalt  }
0x4a: {  	_ =	shalt  }
0x4b: {  	_ =	shalt  }
0x4c: {  	_ =	shalt  }
0x4d: {  	_ =	shalt  }
0x4e: {  	_ =	shalt  }
0x4f: {  	_ =	shalt  }
0x50: {  	_ =	shalt  }
0x51: {  	_ =	shalt  }
0x52: {  	_ =	shalt  }
0x53: {  	_ =	shalt  }
0x54: {  	_ =	shalt  }
0x55: {  	_ =	shalt  }
0x56: {  	_ =	shalt  }
0x57: {  	_ =	shalt  }
0x58: {  	_ =	shalt  }
0x59: {  	_ =	shalt  }
0x5a: {  	_ =	shalt  }
0x5b: {  	_ =	shalt  }
0x5c: {  	_ =	shalt  }
0x5d: {  	_ =	shalt  }
0x5e: {  	_ =	shalt  }
0x5f: {  	_ =	shalt  }
0x60: {  	_ =	shalt  }
0x61: {  	_ =	shalt  }
0x62: {  	_ =	shalt  }
0x63: {  	_ =	shalt  }
0x64: {  	_ =	shalt  }
0x65: {  	_ =	shalt  }
0x66: {  	_ =	shalt  }
0x67: {  	_ =	shalt  }
0x68: {  	_ =	shalt  }
0x69: {  	_ =	shalt  }
0x6a: {  	_ =	shalt  }
0x6b: {  	_ =	shalt  }
0x6c: {  	_ =	shalt  }
0x6d: {  	_ =	shalt  }
0x6e: {  	_ =	shalt  }
0x6f: {  	_ =	shalt  }
0x70: {  	_ =	shalt  }
0x71: {  	_ =	shalt  }
0x72: {  	_ =	shalt  }
0x73: {  	_ =	shalt  }
0x74: {  	_ =	shalt  }
0x75: {  	_ =	shalt  }
0x76: {  	_ =	shalt  }
0x77: {  	_ =	shalt  }
0x78: {  	_ =	shalt  }
0x79: {  	_ =	shalt  }
0x7a: {  	_ =	shalt  }
0x7b: {  	_ =	shalt  }
0x7c: {  	_ =	shalt  }
0x7d: {  	_ =	shalt  }
0x7e: {  	_ =	shalt  }
0x7f: {  	_ =	shalt  }
0x80: {  	_ =	shalt  }
0x81: {  	_ =	shalt  }
0x82: {  	_ =	shalt  }
0x83: {  	_ =	shalt  }
0x84: {  	_ =	shalt  }
0x85: {  	_ =	shalt  }
0x86: {  	_ =	shalt  }
0x87: {  	_ =	shalt  }
.Lfunc_end0:
.L_simem_size_0:
called_computation_lowered:
.L_overlay_start_0:
0x88: {  	s2 =	sld [smem:$0x3FD9]  }
0x89: {  	s3 =	sld [smem:$0x3FFE];
	_ =	sdelay $0x1  }
0x8a: {  	s1 =	srdreg.scid  }
0x8b: {  	s0 =	sand.u32 $0x1, s1  }
0x8c: {  	s17 =	sshll.u32 s0, $0xA;
	s2 =	sadd.s32 s3, s2  }
0x8d: {  	s2 =	sadd.s32 s2, s17  }
0x8e: {  	[smem:$0x3FC0] =	sst s2  }
0x8f: {  	_ = 	snop  }
0x90: {  	s2 =	sld [smem:$0x3FC2]  }
0x91: {  	s18 =	sld [smem:$0x3FD0];
	(tm) =	ssettm $0x1  }
0x92: {  	s4 =	sld [smem:$0x3FFB];
	_ =	sdelay $0x3  }
0x93: {  	_ =	strace s4  }
0x94: {  	s4 =	sld [smem:$0x3FFC];
	_ =	sdelay $0x3  }
0x95: {  	_ =	strace s4  }
0x96: {  	s4 =	sld [smem:$0x3FFD];
	_ =	sdelay $0x3  }
0x97: {  	_ =	strace s4  }
0x98: {  	_ =	strace $0x8FFFFFFF  }
0x99: {  	s19 =	sld [smem:$0x3FDB];
	_ =	sdelay $0x1  }
0x9a: {  	s5 =	simm.s32 $_scs_section_size  }
0x9b: {  	s6 =	simm.s32 $_size__tile_overlayer_lowered;
	s7 =	simm.s32 $_tile_overlayer_lowered  }
0x9c: {  	s22 =	simm.s32 $0x1BFF;
	s21 =	sshll.u32 s7, $0x1;
	s4 =	sadd.s32 s5, s19  }
0x9d: {  	s8 =	simm.s32 $0x0;
	s20 =	sshll.u32 s6, $0x1;
	s6 =	sadd.s32 s21, s4  }
0x9e: {  	[timem:s8], [sflag:s22] =	dma.local [hbm:s6], s20  }
0x9f: {  	_ =	swait.ge [sflag:s22], s20  }
0xa0: {  	s5 =	ssub.s32 $0x0, s20;
	[sflag:s22] =	ssyncset.done $0x0  }
0xa1: {  	[sflag:s22] =	ssyncadd.s32 s5;
	_ =	sdelay $0x1  }
0xa2: {  	s23 =	simm.s32 $0x1B8B  }
0xa3: {  	_ =	swait.ge [sflag:s23], $0x1  }
0xa4: {  	[sflag:s23] =	ssyncset.done $0x0  }
0xa5: {  	s25 =	simm.s32 $0x1B8E;
	s24 =	sld [smem:$0x3FFE];
	[sflag:s23] =	ssyncadd.s32 $0xFFFFFFFF  }
0xa6: {  	s26 =	simm.s32 $execute0_lowered;
	[smem:$0x3FD2] =	sst s25  }
0xa7: {  	s6 =	sshll.u32 s26, $0x1;
	_ =	strace $0x80000046;
	[dreg:$0x1] =	wrdreg $0xFFFFFFFF  }
0xa8: {  	s28 =	simm.s32 $_size_execute0_lowered;
	s4 =	sadd.s32 s4, s6;
	[dreg:$0x0] =	wrdreg $0x0  }
0xa9: {  	s6 =	sshll.u32 s28, $0x1;
	[dreg:$0x2] =	wrdreg s4  }
0xaa: {  	[dreg:$0x3] =	wrdreg s6  }
0xab: {  	[dreg:$0x4] =	wrdreg $0xC0  }
0xac: {  	_ =	task [dreg:s8], $0x5FFFF  }
0xad: {  	[dreg:$0x1] =	wrdreg $0xFFFFFFFF  }
0xae: {  	[dreg:$0x0] =	wrdreg $0x60  }
0xaf: {  	[dreg:$0x2] =	wrdreg s24  }
0xb0: {  	[dreg:$0x3] =	wrdreg s2  }
0xb1: {  	[dreg:$0x4] =	wrdreg s18  }
0xb2: {  	[dreg:$0x5] =	wrdreg $0x9  }
0xb3: {  	_ =	task.clear_ibuf [dreg:s8], $0x6FFFF;
	_ =	strace $0x90000046  }
0xb4: {  	s29 =	simm.s32 $0x9;
	_ =	strace $0x80000048  }
0xb5: {  	_ =	swait.ge [sflag:s29], $0x1  }
0xb6: {  	[sflag:s29] =	ssyncadd.s32 $0xFFFFFFFF  }
0xb7: {  	_ =	strace $0x90000048  }
0xb8: {  	_ =	sfence  }
0xb9: {  	s30 =	sld [smem:$0x0];
	_ =	sdelay $0x2  }
0xba: {  	s31 =	sshll.u32 s1, $0xD;
	s1 =	sshrl.u32 s1, $0x2  }
0xbb: {  	s3 =	sand.u32 $0x4000, s31;
	s1 =	sadd.s32 s1, s30  }
0xbc: {  	s0 =	sor.u32 s3, s0;
	s1 =	sshll.u32 s1, $0x11  }
0xbd: {  	s0 =	sor.u32 s1, s0  }
0xbe: {  	s0 =	sadd.s32 $0x8F2B, s0  }
0xbf: {  	[sflag:s0] =	ssyncadd.remote.s32 $0x1  }
0xc0: {  	_ =	sfence.sel $0xFFFF  }
0xc1: {  	[dreg:$0x0] =	wrdreg $0xFFFFFFFF;
	(pc) =	sbr.abs _section_cstart, $3  }
0xc2: {  	[dreg:$0x1] =	wrdreg $0xFFFFFFFF  }
0xc3: {  	_ =	task.clear_ibuf [dreg:s8], $0x2FFFF;
	_ =	strace $0x9FFFFFFF  }
0xc4: {  	(tm) =	ssettm $0x7FFFFFFF  }
0xc5: {  	_ =	shalt  }
tec
execute0_lowered:
.L_overlay_start_1:
0x0: {  	(tag) =	ssettag $0x1  }
0x1: {  	s3 =	stileid.u32  }
0x2: {  	p0 =	sgt.u32 s3, $0x7  }
.Ltmp0:
0x3: {  	_ = 	snop;
	(pc) =	sbr.rel @p0 .LBB2_7-.Ltmp0, $4  }
0x4: {  	s4 =	rddreg [dreg:$0x0]  }
0x5: {  	s0 =	rddreg [dreg:$0x1];
	s2 =	simm.s32 $0x0  }
0x6: {  	[smem:$0x7FF] =	sst s2  }
0x7: {  	s1 =	rddreg [dreg:$0x2];
	_ =	strace $0x80000047  }
0x8: {  	s3 =	srdreg.scid  }
0x9: {  	s9 =	stileid.u32;
	s5 =	sand.u32 $0x1, s3  }
0xa: {  	s3 =	sshll.u32 s9, $0xB;
	s6 =	sshll.u32 s5, $0xA  }
0xb: {  	s6 =	sor.u32 s6, s3  }
0xc: {  	s3 =	sadd.s32 s1, s6  }
0xd: {  	s7 =	sadd.s32 $0x10, s3  }
0xe: {  	s10 =	sadd.s32 $0x20, s3;
	[dreg:$0x4] =	wrdreg s7  }
0xf: {  	s11 =	sadd.s32 $0x30, s3;
	[dreg:$0x5] =	wrdreg s10  }
0x10: {  	s12 =	sadd.s32 $0x40, s3;
	[dreg:$0x6] =	wrdreg s11  }
0x11: {  	s13 =	sadd.s32 $0x50, s3;
	[dreg:$0x7] =	wrdreg s12  }
0x12: {  	s14 =	sadd.s32 $0x60, s3;
	[dreg:$0x8] =	wrdreg s13  }
0x13: {  	s15 =	sadd.s32 $0x70, s3;
	[dreg:$0x9] =	wrdreg s14  }
0x14: {  	s16 =	sadd.s32 $0x200, s3;
	[dreg:$0xa] =	wrdreg s15  }
0x15: {  	s17 =	sadd.s32 $0x210, s3;
	[dreg:$0xb] =	wrdreg s16  }
0x16: {  	s18 =	sadd.s32 $0x220, s3;
	[dreg:$0xc] =	wrdreg s17  }
0x17: {  	s19 =	sadd.s32 $0x230, s3;
	[dreg:$0xd] =	wrdreg s18  }
0x18: {  	s20 =	sadd.s32 $0x240, s3;
	[dreg:$0xe] =	wrdreg s19  }
0x19: {  	s21 =	sadd.s32 $0x250, s3;
	[dreg:$0xf] =	wrdreg s20  }
0x1a: {  	s22 =	sadd.s32 $0x260, s3;
	[dreg:$0x10] =	wrdreg s21  }
0x1b: {  	s24 =	sor.u32 $0x4000, s6;
	s23 =	sadd.s32 $0x270, s3;
	[dreg:$0x11] =	wrdreg s22  }
0x1c: {  	s4 =	sadd.s32 $0xE00, s4;
	s8 =	sadd.s32 s0, s24;
	[dreg:$0x12] =	wrdreg s23  }
0x1d: {  	s26 =	ssub.s32 $0x2, s5;
	s25 =	sadd.s32 s1, s24;
	[dreg:$0x13] =	wrdreg s8  }
0x1e: {  	s9 =	sshrl.u32 s26, $0x1;
	s24 =	sadd.s32 $0x4270, s3;
	[dreg:$0x14] =	wrdreg s25  }
0x1f: {  	s1 =	ssub.s32 s26, s9;
	s26 =	sadd.s32 $0x24C0, s4;
	[smem:$0x7FB] =	sst s24  }
0x20: {  	s7 =	sadd.s32 $0x4010, s3;
	[smem:$0x7FD] =	sst s26  }
0x21: {  	s8 =	sadd.s32 $0x4020, s3;
	[dreg:$0x15] =	wrdreg s7  }
0x22: {  	s10 =	sadd.s32 $0x4030, s3;
	[dreg:$0x16] =	wrdreg s8  }
0x23: {  	s11 =	sadd.s32 $0x4040, s3;
	[dreg:$0x17] =	wrdreg s10  }
0x24: {  	s12 =	sadd.s32 s0, s6;
	[dreg:$0x18] =	wrdreg s11  }
0x25: {  	s13 =	sadd.s32 $0x4050, s3;
	[dreg:$0x19] =	wrdreg s12  }
0x26: {  	s28 =	simm.s32 $0x1B200;
	s14 =	smax.u32 s1, $0x1;
	[dreg:$0x1a] =	wrdreg s13  }
0x27: {  	s29 =	simm.s32 $0x1B400;
	s15 =	sadd.s32 $0x4060, s3;
	[dreg:$0x1b] =	wrdreg s14  }
0x28: {  	s30 =	simm.s32 $0x1B600;
	s16 =	sadd.s32 $0x4070, s3;
	[dreg:$0x1c] =	wrdreg s15  }
0x29: {  	s31 =	simm.s32 $0x1B800;
	s17 =	sadd.s32 $0x4200, s3;
	[dreg:$0x1d] =	wrdreg s16  }
0x2a: {  	s5 =	simm.s32 $0x1BE00;
	s18 =	sadd.s32 $0x4210, s3;
	[dreg:$0x1e] =	wrdreg s17  }
0x2b: {  	s9 =	simm.s32 $0x1C600;
	s19 =	sadd.s32 $0x4220, s3;
	[dreg:$0x1f] =	wrdreg s18  }
0x2c: {  	s20 =	sadd.s32 $0x4230, s3;
	s21 =	sadd.s32 $0x4240, s3;
	[smem:$0x7F6] =	sst s19  }
0x2d: {  	s22 =	sadd.s32 $0x4250, s3;
	s23 =	sadd.s32 $0x4260, s3;
	[smem:$0x7F7] =	sst s20  }
0x2e: {  	s25 =	sadd.s32 $0x2AE0, s4;
	s24 =	simm.s32 $0x1AC00;
	[smem:$0x7F8] =	sst s21  }
0x2f: {  	s26 =	simm.s32 $0x1B000;
	s0 =	simm.s32 $0x1BA00;
	[smem:$0x7F9] =	sst s22  }
0x30: {  	s1 =	simm.s32 $0x1BC00;
	s6 =	simm.s32 $0x1C000;
	[smem:$0x7FA] =	sst s23  }
0x31: {  	[smem:$0x7FC] =	sst s25;
	s13 =	sadd.s32 $0x1EA0, s4;
	s14 =	sadd.s32 $0x1880, s4  }
0x32: {  	s15 =	sadd.s32 $0x1260, s4;
	s16 =	sadd.s32 $0xC40, s4;
	s17 =	sadd.s32 $0x620, s4  }
0x33: {  	s19 =	simm.s32 $0x1;
	s20 =	simm.s32 $0x80;
	s21 =	simm.s32 $0x400  }
0x34: {  	s22 =	simm.s32 $0x1A800;
	s23 =	simm.s32 $0x1AA00;
	s25 =	simm.s32 $0x1AE00  }
0x35: {  	v0 =	vimm.s32 $0x0;
	s7 =	simm.s32 $0x1C200;
	s8 =	simm.s32 $0x1C400;
	s10 =	simm.s32 $0x0  }
.LBB2_2:
0x36: {  	[tilespmem:s2], [sflag:$0x1] =	stream.linear.gather [hbm4b:s4+s2], $0x3100, $0x38;
	[tilespmem:$0x1C800] =	vst v63  }
0x37: {  	s11 =	simm.s32 $0x3100  }
0x38: {  	[tilespmem:s11], [sflag:$0x1] =	stream.linear.gather [hbm4b:s17+s2], $0x3100, $0x38;
	[tilespmem:$0x1C800] =	vst v63  }
0x39: {  	s18 =	simm.s32 $0x6200  }
0x3a: {  	[tilespmem:s18], [sflag:$0x1] =	stream.linear.gather [hbm4b:s16+s2], $0x3100, $0x38;
	[tilespmem:$0x1C800] =	vst v63  }
0x3b: {  	s12 =	simm.s32 $0x9300  }
0x3c: {  	[tilespmem:s12], [sflag:$0x1] =	stream.linear.gather [hbm4b:s15+s2], $0x3100, $0x38;
	[tilespmem:$0x1C800] =	vst v63  }
0x3d: {  	s18 =	simm.s32 $0xC400  }
0x3e: {  	[tilespmem:s18], [sflag:$0x1] =	stream.linear.gather [hbm4b:s14+s2], $0x3100, $0x38;
	[tilespmem:$0x1C800] =	vst v63  }
0x3f: {  	s12 =	simm.s32 $0xF500;
	s18 =	sld [smem:$0x7FD]  }
0x40: {  	[tilespmem:s12], [sflag:$0x1] =	stream.linear.gather [hbm4b:s13+s2], $0x3100, $0x38;
	[tilespmem:$0x1C800] =	vst v63  }
0x41: {  	s12 =	simm.s32 $0x12600  }
0x42: {  	[tilespmem:s12], [sflag:$0x1] =	stream.linear.gather [hbm4b:s18+s2], $0x3100, $0x38;
	[tilespmem:$0x1C800] =	vst v63  }
0x43: {  	s12 =	sld [smem:$0x7FC];
	_ =	sdelay $0x1  }
0x44: {  	s18 =	simm.s32 $0x15700  }
0x45: {  	[tilespmem:s18], [sflag:$0x1] =	stream.linear.gather [hbm4b:s12+s2], $0x3100, $0x38;
	[tilespmem:$0x1C800] =	vst v63  }
0x46: {  	s12 =	rddreg [dreg:$0x19];
	s18 =	simm.s32 $0x18800  }
0x47: {  	[tilespmem:s18], [sflag:$0x1] =	stream.linear.gather [hbm4b:s12+s2], $0x2000, $0x38;
	[tilespmem:$0x1C800] =	vst v63  }
0x48: {  	_ =	swait.ge [sflag:s19], $0x3100  }
0x49: {  	[sflag:s19] =	ssyncset.done $0x0  }
0x4a: {  	[sflag:s19] =	ssyncadd.s32 $0xFFFFCF00  }
0x4b: {  	_ =	swait.ge [sflag:s19], $0x3100  }
0x4c: {  	[sflag:s19] =	ssyncset.done $0x0  }
0x4d: {  	[sflag:s19] =	ssyncadd.s32 $0xFFFFCF00  }
0x4e: {  	_ =	swait.ge [sflag:s19], $0x3100  }
0x4f: {  	[sflag:s19] =	ssyncset.done $0x0  }
0x50: {  	[sflag:s19] =	ssyncadd.s32 $0xFFFFCF00  }
0x51: {  	_ =	swait.ge [sflag:s19], $0x3100  }
0x52: {  	[sflag:s19] =	ssyncset.done $0x0  }
0x53: {  	[sflag:s19] =	ssyncadd.s32 $0xFFFFCF00  }
0x54: {  	_ =	swait.ge [sflag:s19], $0x3100  }
0x55: {  	[sflag:s19] =	ssyncset.done $0x0  }
0x56: {  	[sflag:s19] =	ssyncadd.s32 $0xFFFFCF00  }
0x57: {  	_ =	swait.ge [sflag:s19], $0x3100  }
0x58: {  	[sflag:s19] =	ssyncset.done $0x0  }
0x59: {  	[sflag:s19] =	ssyncadd.s32 $0xFFFFCF00  }
0x5a: {  	_ =	swait.ge [sflag:s19], $0x3100  }
0x5b: {  	[sflag:s19] =	ssyncset.done $0x0  }
0x5c: {  	[sflag:s19] =	ssyncadd.s32 $0xFFFFCF00  }
0x5d: {  	_ =	swait.ge [sflag:s19], $0x3100  }
0x5e: {  	[sflag:s19] =	ssyncset.done $0x0  }
0x5f: {  	[sflag:s19] =	ssyncadd.s32 $0xFFFFCF00  }
0x60: {  	_ =	swait.ge [sflag:s19], $0x2000  }
0x61: {  	[sflag:s19] =	ssyncset.done $0x0  }
0x62: {  	s18 =	simm.s32 $0x18880;
	[sflag:s19] =	ssyncadd.s32 $0xFFFFE000  }
0x63: {  	v1 =	vld [tilespmem:s18+$0x70]  }
0x64: {  	v2 =	vld [tilespmem:s18+$0xFFFFFF90]  }
0x65: {  	v3 =	vld [tilespmem:s18+$0xFFFFFFA0]  }
0x66: {  	v4 =	vld [tilespmem:s18+$0xFFFFFFB0]  }
0x67: {  	v5 =	vld [tilespmem:s18+$0xFFFFFFC0]  }
0x68: {  	v6 =	vld [tilespmem:s18+$0xFFFFFFD0]  }
0x69: {  	v7 =	vld [tilespmem:s18+$0xFFFFFFE0];
	_ =	sdelay $0x1  }
0x6a: {  	v10 =	vld [tilespmem:s18+$0xFFFFFFF0]  }
0x6b: {  	v11 =	vld [tilespmem:s18+$0x10];
	vm8 =	vgt.s32 v1, $0x187FF;
	vm0 =	vgt.s32 v2, $0x187FF;
	vm1 =	vgt.s32 v3, $0x187FF  }
0x6c: {  	v12 =	vld [tilespmem:s18+$0x20];
	vm2 =	vgt.s32 v4, $0x187FF;
	vm3 =	vgt.s32 v5, $0x187FF;
	vm4 =	vgt.s32 v6, $0x187FF  }
0x6d: {  	v13 =	vld [tilespmem:s18+$0x30];
	vm5 =	vgt.s32 v7, $0x187FF;
	v8 =	vsel vm8, $0xFFFE7800, v0;
	v9 =	vsel vm0, $0xFFFE7800, v0  }
0x6e: {  	v1 =	vadd.s32 v1, v8;
	v2 =	vadd.s32 v2, v9;
	v8 =	vsel vm1, $0xFFFE7800, v0;
	v9 =	vld [tilespmem:s18+$0x0]  }
0x6f: {  	v15 =	vld [tilespmem:s18+$0x50];
	vm6 =	vgt.s32 v10, $0x187FF;
	v3 =	vadd.s32 v3, v8;
	v8 =	vsel vm2, $0xFFFE7800, v0  }
0x70: {  	v16 =	vld [tilespmem:s18+$0x60];
	vm9 =	vgt.s32 v11, $0x187FF;
	v4 =	vadd.s32 v4, v8;
	v8 =	vsel vm3, $0xFFFE7800, v0  }
0x71: {  	v17 =	vld [tilespmem:s18+$0xFFFFFF80];
	vm10 =	vgt.s32 v12, $0x187FF;
	v5 =	vadd.s32 v5, v8;
	v8 =	vsel vm4, $0xFFFE7800, v0  }
0x72: {  	vm11 =	vgt.s32 v13, $0x187FF;
	v6 =	vadd.s32 v6, v8;
	v8 =	vsel vm5, $0xFFFE7800, v0  }
0x73: {  	v14 =	vld [tilespmem:s18+$0x40];
	v7 =	vadd.s32 v7, v8;
	v8 =	vsel vm6, $0xFFFE7800, v0;
	vm7 =	vgt.s32 v9, $0x187FF  }
0x74: {  	vm12 =	vgt.s32 v15, $0x187FF;
	v1 =	vld.idx.msk [tilespmem:v1+s2+$0x0], $0xffff;
	v8 =	vadd.s32 v10, v8;
	v10 =	vsel vm7, $0xFFFE7800, v0  }
0x75: {  	vm13 =	vgt.s32 v16, $0x187FF;
	v9 =	vadd.s32 v9, v10;
	v10 =	vsel vm9, $0xFFFE7800, v0  }
0x76: {  	vm14 =	vgt.s32 v17, $0x187FF;
	v2 =	vld.idx.msk [tilespmem:v2+s2+$0x0], $0xffff;
	v10 =	vadd.s32 v11, v10;
	v11 =	vsel vm10, $0xFFFE7800, v0  }
0x77: {  	v18 =	vsel vm8, $0x10, v0;
	v19 =	vld.idx.msk [tilespmem:v3+s2+$0x0], $0xffff;
	v11 =	vadd.s32 v12, v11;
	v12 =	vsel vm11, $0xFFFE7800, v0  }
0x78: {  	vm8 =	vgt.s32 v14, $0x187FF;
	v25 =	vsel vm2, $0x10, v0;
	v3 =	vadd.s32 v13, v12;
	v13 =	vld.idx.msk [tilespmem:v4+s2+$0x0], $0xffff  }
0x79: {  	v26 =	vsel vm3, $0x10, v0;
	v1 =	vshra.s32 v1, v18;
	v4 =	vsel vm8, $0xFFFE7800, v0;
	v18 =	vld.idx.msk [tilespmem:v5+s2+$0x0], $0xffff  }
0x7a: {  	v27 =	vsel vm4, $0x10, v0;
	v29 =	vsel vm6, $0x10, v0;
	v21 =	vadd.s32 v14, v4;
	v14 =	vld.idx.msk [tilespmem:v6+s2+$0x0], $0xffff  }
0x7b: {  	v20 =	vshll.u32 v1, $0x10;
	v1 =	vsel vm12, $0xFFFE7800, v0;
	v4 =	vsel vm14, $0xFFFE7800, v0;
	v24 =	vld.idx.msk [tilespmem:v8+s2+$0x0], $0xffff  }
0x7c: {  	v32 =	vsel vm9, $0x10, v0;
	v22 =	vadd.s32 v15, v1;
	v15 =	vld.idx.msk [tilespmem:v7+s2+$0x0], $0xffff;
	v12 =	vadd.s32 v17, v4  }
0x7d: {  	v30 =	vsel vm7, $0x10, v0;
	v5 =	vsel vm11, $0x10, v0;
	v8 =	vsel vm10, $0x10, v0;
	v28 =	vld.idx.msk [tilespmem:v9+s2+$0x0], $0xffff  }
0x7e: {  	v1 =	vsel vm13, $0xFFFE7800, v0;
	v17 =	vsel vm1, $0x10, v0;
	v9 =	vsel vm5, $0x10, v0;
	v31 =	vld.idx.msk [tilespmem:v10+s2+$0x0], $0xffff  }
0x7f: {  	v4 =	vsel vm8, $0x10, v0;
	v23 =	vadd.s32 v16, v1;
	v16 =	vsel vm0, $0x10, v0;
	v7 =	vld.idx.msk [tilespmem:v11+s2+$0x0], $0xffff  }
0x80: {  	v1 =	vsel vm14, $0x10, v0;
	v10 =	vshra.s32 v2, v16;
	v2 =	vsel vm13, $0x10, v0;
	v6 =	vld.idx.msk [tilespmem:v3+s2+$0x0], $0xffff  }
0x81: {  	s11 =	simm.s32 $0x1A880;
	v11 =	vshra.s32 v19, v17;
	v3 =	vsel vm12, $0x10, v0;
	v16 =	vshra.s32 v13, v25;
	v12 =	vld.idx.msk [tilespmem:v12+s2+$0x0], $0xffff  }
0x82: {  	[tilespmem:s11+$0x70] =	vst v20;
	v19 =	vshll.u32 v10, $0x10;
	v17 =	vshra.s32 v14, v27;
	v14 =	vshra.s32 v15, v9;
	v9 =	vld.idx.msk [tilespmem:v21+s2+$0x0], $0xffff  }
0x83: {  	v18 =	vshra.s32 v18, v26;
	v20 =	vshll.u32 v11, $0x10;
	[tilespmem:s11+$0xFFFFFF90] =	vst v19;
	v19 =	vshll.u32 v16, $0x10;
	v10 =	vld.idx.msk [tilespmem:v22+s2+$0x0], $0xffff  }
0x84: {  	s12 =	simm.s32 $0x18980;
	s18 =	simm.s32 $0x0;
	v15 =	vshra.s32 v24, v29;
	v13 =	vshra.s32 v28, v30;
	v16 =	vshra.s32 v31, v32;
	v11 =	vld.idx.msk [tilespmem:v23+s2+$0x0], $0xffff  }
.LBB2_3:
0x85: {  	v21 =	vld [tilespmem:s12+$0x70];
	s18 =	sadd.s32 $0x10, s18;
	[tilespmem:s11+$0xFFFFFFA0] =	vst v20;
	v18 =	vshll.u32 v18, $0x10;
	v17 =	vshll.u32 v17, $0x10;
	v7 =	vshra.s32 v7, v8  }
0x86: {  	v14 =	vshll.u32 v14, $0x10;
	v15 =	vshll.u32 v15, $0x10;
	v5 =	vshra.s32 v6, v5;
	v8 =	vld [tilespmem:s12+$0xFFFFFF90];
	p0 =	slt.u32 s18, $0x1F0;
	[tilespmem:s11+$0xFFFFFFB0] =	vst v19  }
0x87: {  	v1 =	vshra.s32 v12, v1;
	v12 =	vshll.u32 v13, $0x10;
	v13 =	vshll.u32 v16, $0x10;
	v6 =	vld [tilespmem:s12+$0xFFFFFFA0];
	[tilespmem:s11+$0xFFFFFFC0] =	vst v18  }
0x88: {  	v7 =	vshll.u32 v7, $0x10;
	v1 =	vshll.u32 v1, $0x10;
	v4 =	vshra.s32 v9, v4;
	v16 =	vld [tilespmem:s12+$0xFFFFFFB0];
	[tilespmem:s11+$0xFFFFFFD0] =	vst v17  }
0x89: {  	v4 =	vshll.u32 v4, $0x10;
	v3 =	vshra.s32 v10, v3;
	v9 =	vld [tilespmem:s12+$0xFFFFFFC0];
	[tilespmem:s11+$0xFFFFFF80] =	vst v1;
	v1 =	vshll.u32 v5, $0x10  }
0x8a: {  	v3 =	vshll.u32 v3, $0x10;
	v2 =	vshra.s32 v11, v2;
	v5 =	vld [tilespmem:s12+$0xFFFFFFD0];
	vm6 =	vgt.s32 v21, $0x187FF;
	[tilespmem:s11+$0xFFFFFFE0] =	vst v14  }
0x8b: {  	v2 =	vshll.u32 v2, $0x10;
	vm0 =	vgt.s32 v8, $0x187FF;
	v10 =	vld [tilespmem:s12+$0xFFFFFFE0];
	v11 =	vsel vm6, $0xFFFE7800, v0;
	[tilespmem:s11+$0xFFFFFFF0] =	vst v15  }
0x8c: {  	v14 =	vsel vm0, $0xFFFE7800, v0;
	vm1 =	vgt.s32 v6, $0x187FF;
	v15 =	vld [tilespmem:s12+$0xFFFFFFF0];
	v11 =	vadd.s32 v21, v11;
	[tilespmem:s11+$0x0] =	vst v12  }
0x8d: {  	v8 =	vadd.s32 v8, v14;
	v12 =	vsel vm1, $0xFFFE7800, v0;
	vm2 =	vgt.s32 v16, $0x187FF;
	v14 =	vld [tilespmem:s12+$0x0];
	[tilespmem:s11+$0x10] =	vst v13  }
0x8e: {  	v6 =	vadd.s32 v6, v12;
	v12 =	vsel vm2, $0xFFFE7800, v0;
	vm3 =	vgt.s32 v9, $0x187FF;
	v13 =	vld [tilespmem:s12+$0x10];
	[tilespmem:s11+$0x20] =	vst v7  }
0x8f: {  	v7 =	vadd.s32 v16, v12;
	v12 =	vsel vm3, $0xFFFE7800, v0;
	vm4 =	vgt.s32 v5, $0x187FF;
	v16 =	vld [tilespmem:s12+$0x20];
	[tilespmem:s11+$0x30] =	vst v1  }
0x90: {  	v1 =	vadd.s32 v9, v12;
	v9 =	vsel vm4, $0xFFFE7800, v0;
	vm5 =	vgt.s32 v10, $0x187FF;
	v12 =	vld [tilespmem:s12+$0x30];
	[tilespmem:s11+$0x40] =	vst v4  }
0x91: {  	v4 =	vadd.s32 v5, v9;
	v5 =	vsel vm5, $0xFFFE7800, v0;
	vm7 =	vgt.s32 v15, $0x187FF;
	v9 =	vld.idx.msk [tilespmem:v11+s2+$0x0], $0xffff;
	[tilespmem:s11+$0x50] =	vst v3  }
0x92: {  	v3 =	vadd.s32 v10, v5;
	v5 =	vsel vm7, $0xFFFE7800, v0;
	vm8 =	vgt.s32 v14, $0x187FF;
	v10 =	vld [tilespmem:s12+$0x40];
	[tilespmem:s11+$0x60] =	vst v2  }
0x93: {  	v2 =	vadd.s32 v15, v5;
	v5 =	vsel vm8, $0xFFFE7800, v0;
	vm9 =	vgt.s32 v13, $0x187FF;
	v11 =	vld [tilespmem:s12+$0x50]  }
0x94: {  	v5 =	vadd.s32 v14, v5;
	v14 =	vsel vm9, $0xFFFE7800, v0;
	vm10 =	vgt.s32 v16, $0x187FF;
	v15 =	vld [tilespmem:s12+$0x60]  }
0x95: {  	v17 =	vld [tilespmem:s12+$0xFFFFFF80];
	v13 =	vadd.s32 v13, v14;
	v14 =	vsel vm10, $0xFFFE7800, v0;
	vm11 =	vgt.s32 v12, $0x187FF  }
0x96: {  	v18 =	vld.idx.msk [tilespmem:v8+s2+$0x0], $0xffff;
	v8 =	vadd.s32 v16, v14;
	v14 =	vsel vm11, $0xFFFE7800, v0;
	v16 =	vsel vm6, $0x10, v0  }
0x97: {  	v19 =	vld.idx.msk [tilespmem:v6+s2+$0x0], $0xffff;
	v6 =	vadd.s32 v12, v14;
	vm6 =	vgt.s32 v10, $0x187FF;
	v9 =	vshra.s32 v9, v16  }
0x98: {  	s11 =	sadd.s32 $0x100, s11;
	v14 =	vld.idx.msk [tilespmem:v7+s2+$0x0], $0xffff;
	v7 =	vsel vm6, $0xFFFE7800, v0;
	vm12 =	vgt.s32 v11, $0x187FF;
	v9 =	vshll.u32 v9, $0x10  }
0x99: {  	v16 =	vld.idx.msk [tilespmem:v1+s2+$0x0], $0xffff;
	v10 =	vadd.s32 v10, v7;
	v1 =	vsel vm12, $0xFFFE7800, v0;
	vm13 =	vgt.s32 v15, $0x187FF;
	[tilespmem:s11+$0x70] =	vst v9  }
0x9a: {  	vm14 =	vgt.s32 v17, $0x187FF;
	v9 =	vld.idx.msk [tilespmem:v4+s2+$0x0], $0xffff;
	v11 =	vadd.s32 v11, v1;
	v4 =	vsel vm13, $0xFFFE7800, v0  }
0x9b: {  	v7 =	vsel vm14, $0xFFFE7800, v0;
	v1 =	vsel vm14, $0x10, v0;
	v20 =	vld.idx.msk [tilespmem:v3+s2+$0x0], $0xffff;
	v21 =	vadd.s32 v15, v4  }
0x9c: {  	v15 =	vsel vm0, $0x10, v0;
	v12 =	vadd.s32 v17, v7;
	v17 =	vsel vm1, $0x10, v0;
	v22 =	vld.idx.msk [tilespmem:v2+s2+$0x0], $0xffff  }
0x9d: {  	v23 =	vsel vm2, $0x10, v0;
	v24 =	vsel vm3, $0x10, v0;
	v25 =	vsel vm4, $0x10, v0;
	v26 =	vld.idx.msk [tilespmem:v5+s2+$0x0], $0xffff  }
0x9e: {  	v27 =	vsel vm5, $0x10, v0;
	v28 =	vsel vm7, $0x10, v0;
	v29 =	vsel vm8, $0x10, v0;
	v30 =	vld.idx.msk [tilespmem:v13+s2+$0x0], $0xffff  }
0x9f: {  	v31 =	vsel vm9, $0x10, v0;
	v5 =	vsel vm11, $0x10, v0;
	v7 =	vld.idx.msk [tilespmem:v8+s2+$0x0], $0xffff;
	v8 =	vsel vm10, $0x10, v0  }
.Ltmp1:
0xa0: {  	v4 =	vsel vm6, $0x10, v0;
	v3 =	vsel vm12, $0x10, v0;
	v2 =	vsel vm13, $0x10, v0;
	v6 =	vld.idx.msk [tilespmem:v6+s2+$0x0], $0xffff;
	(pc) =	sbr.rel @p0 .LBB2_3-.Ltmp1, $4  }
0xa1: {  	v19 =	vshra.s32 v19, v17;
	v23 =	vshra.s32 v14, v23;
	v13 =	vshra.s32 v18, v15;
	v12 =	vld.idx.msk [tilespmem:v12+s2+$0x0], $0xffff  }
0xa2: {  	v18 =	vshra.s32 v16, v24;
	v17 =	vshra.s32 v9, v25;
	v14 =	vshra.s32 v20, v27;
	v9 =	vld.idx.msk [tilespmem:v10+s2+$0x0], $0xffff  }
0xa3: {  	v16 =	vshll.u32 v13, $0x10;
	v15 =	vshra.s32 v22, v28;
	v13 =	vshra.s32 v26, v29;
	v10 =	vld.idx.msk [tilespmem:v11+s2+$0x0], $0xffff  }
0xa4: {  	s12 =	sadd.s32 $0x100, s12;
	v20 =	vshll.u32 v19, $0x10;
	v19 =	vshll.u32 v23, $0x10;
	[tilespmem:s11+$0xFFFFFF90] =	vst v16;
	v16 =	vshra.s32 v30, v31;
	v11 =	vld.idx.msk [tilespmem:v21+s2+$0x0], $0xffff  }
0xa5: {  	[tilespmem:s11+$0xFFFFFFA0] =	vst v20  }
0xa6: {  	v18 =	vshll.u32 v18, $0x10;
	[tilespmem:s11+$0xFFFFFFB0] =	vst v19  }
0xa7: {  	v17 =	vshll.u32 v17, $0x10;
	[tilespmem:s11+$0xFFFFFFC0] =	vst v18  }
0xa8: {  	v5 =	vshra.s32 v6, v5;
	v1 =	vshra.s32 v12, v1;
	[tilespmem:s11+$0xFFFFFFD0] =	vst v17;
	v12 =	vshll.u32 v14, $0x10  }
0xa9: {  	v5 =	vshll.u32 v5, $0x10;
	[tilespmem:s11+$0xFFFFFFE0] =	vst v12  }
0xaa: {  	v1 =	vshll.u32 v1, $0x10;
	[tilespmem:s11+$0x30] =	vst v5  }
0xab: {  	v12 =	vshll.u32 v13, $0x10;
	[tilespmem:s11+$0xFFFFFF80] =	vst v1  }
0xac: {  	v1 =	vshll.u32 v15, $0x10;
	[tilespmem:s11+$0x0] =	vst v12  }
0xad: {  	v3 =	vshra.s32 v10, v3;
	[tilespmem:s11+$0xFFFFFFF0] =	vst v1;
	v1 =	vshra.s32 v7, v8;
	v7 =	vshll.u32 v16, $0x10  }
0xae: {  	v3 =	vshll.u32 v3, $0x10;
	[tilespmem:s11+$0x10] =	vst v7  }
0xaf: {  	v4 =	vshra.s32 v9, v4;
	v1 =	vshll.u32 v1, $0x10;
	[tilespmem:s11+$0x50] =	vst v3  }
0xb0: {  	v2 =	vshra.s32 v11, v2;
	[tilespmem:s11+$0x20] =	vst v1;
	v1 =	vshll.u32 v4, $0x10  }
0xb1: {  	[tilespmem:s11+$0x40] =	vst v1;
	v1 =	vshll.u32 v2, $0x10  }
0xb2: {  	[tilespmem:s11+$0x60] =	vst v1  }
0xb3: {  	[hbm4b:s3+s20] =	stream.strided.scatter [tilespmem:s22], [sflag:$0x1], $0x200, s21, s20, $0x38;
	[tilespmem:$0x1C800] =	vst v63  }
0xb4: {  	s11 =	rddreg [dreg:$0x4]  }
0xb5: {  	[hbm4b:s11+s20] =	stream.strided.scatter [tilespmem:s23], [sflag:$0x1], $0x200, s21, s20, $0x38;
	[tilespmem:$0x1C800] =	vst v63  }
0xb6: {  	s18 =	rddreg [dreg:$0x5]  }
0xb7: {  	[hbm4b:s18+s20] =	stream.strided.scatter [tilespmem:s24], [sflag:$0x1], $0x200, s21, s20, $0x38;
	[tilespmem:$0x1C800] =	vst v63  }
0xb8: {  	s12 =	rddreg [dreg:$0x6]  }
0xb9: {  	[hbm4b:s12+s20] =	stream.strided.scatter [tilespmem:s25], [sflag:$0x1], $0x200, s21, s20, $0x38;
	[tilespmem:$0x1C800] =	vst v63  }
0xba: {  	s18 =	rddreg [dreg:$0x7]  }
0xbb: {  	[hbm4b:s18+s20] =	stream.strided.scatter [tilespmem:s26], [sflag:$0x1], $0x200, s21, s20, $0x38;
	[tilespmem:$0x1C800] =	vst v63  }
0xbc: {  	s12 =	rddreg [dreg:$0x8]  }
0xbd: {  	[hbm4b:s12+s20] =	stream.strided.scatter [tilespmem:s28], [sflag:$0x1], $0x200, s21, s20, $0x38;
	[tilespmem:$0x1C800] =	vst v63  }
0xbe: {  	s18 =	rddreg [dreg:$0x9]  }
0xbf: {  	[hbm4b:s18+s20] =	stream.strided.scatter [tilespmem:s29], [sflag:$0x1], $0x200, s21, s20, $0x38;
	[tilespmem:$0x1C800] =	vst v63  }
0xc0: {  	s12 =	rddreg [dreg:$0xa]  }
0xc1: {  	[hbm4b:s12+s20] =	stream.strided.scatter [tilespmem:s30], [sflag:$0x1], $0x200, s21, s20, $0x38;
	[tilespmem:$0x1C800] =	vst v63  }
0xc2: {  	s18 =	rddreg [dreg:$0xb]  }
0xc3: {  	[hbm4b:s18+s20] =	stream.strided.scatter [tilespmem:s31], [sflag:$0x1], $0x200, s21, s20, $0x38;
	[tilespmem:$0x1C800] =	vst v63  }
0xc4: {  	s12 =	rddreg [dreg:$0xc]  }
0xc5: {  	[hbm4b:s12+s20] =	stream.strided.scatter [tilespmem:s0], [sflag:$0x1], $0x200, s21, s20, $0x38;
	[tilespmem:$0x1C800] =	vst v63  }
0xc6: {  	s18 =	rddreg [dreg:$0xd]  }
0xc7: {  	[hbm4b:s18+s20] =	stream.strided.scatter [tilespmem:s1], [sflag:$0x1], $0x200, s21, s20, $0x38;
	[tilespmem:$0x1C800] =	vst v63  }
0xc8: {  	s12 =	rddreg [dreg:$0xe]  }
0xc9: {  	[hbm4b:s12+s20] =	stream.strided.scatter [tilespmem:s5], [sflag:$0x1], $0x200, s21, s20, $0x38;
	[tilespmem:$0x1C800] =	vst v63  }
0xca: {  	s18 =	rddreg [dreg:$0xf]  }
0xcb: {  	[hbm4b:s18+s20] =	stream.strided.scatter [tilespmem:s6], [sflag:$0x1], $0x200, s21, s20, $0x38;
	[tilespmem:$0x1C800] =	vst v63  }
0xcc: {  	s12 =	rddreg [dreg:$0x10]  }
0xcd: {  	[hbm4b:s12+s20] =	stream.strided.scatter [tilespmem:s7], [sflag:$0x1], $0x200, s21, s20, $0x38;
	[tilespmem:$0x1C800] =	vst v63  }
0xce: {  	s18 =	rddreg [dreg:$0x11]  }
0xcf: {  	[hbm4b:s18+s20] =	stream.strided.scatter [tilespmem:s8], [sflag:$0x1], $0x200, s21, s20, $0x38;
	[tilespmem:$0x1C800] =	vst v63  }
0xd0: {  	s12 =	rddreg [dreg:$0x12]  }
0xd1: {  	[hbm4b:s12+s20] =	stream.strided.scatter [tilespmem:s9], [sflag:$0x1], $0x200, s21, s20, $0x38;
	[tilespmem:$0x1C800] =	vst v63  }
0xd2: {  	s18 =	rddreg [dreg:$0x13];
	s12 =	simm.s32 $0x18800  }
0xd3: {  	[tilespmem:s12], [sflag:$0x1] =	stream.linear.gather [hbm4b:s18+s2], $0x2000, $0x38;
	[tilespmem:$0x1C800] =	vst v63  }
0xd4: {  	_ =	swait.ge [sflag:s19], $0x200  }
0xd5: {  	[sflag:s19] =	ssyncset.done $0x0  }
0xd6: {  	[sflag:s19] =	ssyncadd.s32 $0xFFFFFE00  }
0xd7: {  	_ =	swait.ge [sflag:s19], $0x200  }
0xd8: {  	[sflag:s19] =	ssyncset.done $0x0  }
0xd9: {  	[sflag:s19] =	ssyncadd.s32 $0xFFFFFE00  }
0xda: {  	_ =	swait.ge [sflag:s19], $0x200  }
0xdb: {  	[sflag:s19] =	ssyncset.done $0x0  }
0xdc: {  	[sflag:s19] =	ssyncadd.s32 $0xFFFFFE00  }
0xdd: {  	_ =	swait.ge [sflag:s19], $0x200  }
0xde: {  	[sflag:s19] =	ssyncset.done $0x0  }
0xdf: {  	[sflag:s19] =	ssyncadd.s32 $0xFFFFFE00  }
0xe0: {  	_ =	swait.ge [sflag:s19], $0x200  }
0xe1: {  	[sflag:s19] =	ssyncset.done $0x0  }
0xe2: {  	[sflag:s19] =	ssyncadd.s32 $0xFFFFFE00  }
0xe3: {  	_ =	swait.ge [sflag:s19], $0x200  }
0xe4: {  	[sflag:s19] =	ssyncset.done $0x0  }
0xe5: {  	[sflag:s19] =	ssyncadd.s32 $0xFFFFFE00  }
0xe6: {  	_ =	swait.ge [sflag:s19], $0x200  }
0xe7: {  	[sflag:s19] =	ssyncset.done $0x0  }
0xe8: {  	[sflag:s19] =	ssyncadd.s32 $0xFFFFFE00  }
0xe9: {  	_ =	swait.ge [sflag:s19], $0x200  }
0xea: {  	[sflag:s19] =	ssyncset.done $0x0  }
0xeb: {  	[sflag:s19] =	ssyncadd.s32 $0xFFFFFE00  }
0xec: {  	_ =	swait.ge [sflag:s19], $0x200  }
0xed: {  	[sflag:s19] =	ssyncset.done $0x0  }
0xee: {  	[sflag:s19] =	ssyncadd.s32 $0xFFFFFE00  }
0xef: {  	_ =	swait.ge [sflag:s19], $0x200  }
0xf0: {  	[sflag:s19] =	ssyncset.done $0x0  }
0xf1: {  	[sflag:s19] =	ssyncadd.s32 $0xFFFFFE00  }
0xf2: {  	_ =	swait.ge [sflag:s19], $0x200  }
0xf3: {  	[sflag:s19] =	ssyncset.done $0x0  }
0xf4: {  	[sflag:s19] =	ssyncadd.s32 $0xFFFFFE00  }
0xf5: {  	_ =	swait.ge [sflag:s19], $0x200  }
0xf6: {  	[sflag:s19] =	ssyncset.done $0x0  }
0xf7: {  	[sflag:s19] =	ssyncadd.s32 $0xFFFFFE00  }
0xf8: {  	_ =	swait.ge [sflag:s19], $0x200  }
0xf9: {  	[sflag:s19] =	ssyncset.done $0x0  }
0xfa: {  	[sflag:s19] =	ssyncadd.s32 $0xFFFFFE00  }
0xfb: {  	_ =	swait.ge [sflag:s19], $0x200  }
0xfc: {  	[sflag:s19] =	ssyncset.done $0x0  }
0xfd: {  	[sflag:s19] =	ssyncadd.s32 $0xFFFFFE00  }
0xfe: {  	_ =	swait.ge [sflag:s19], $0x200  }
0xff: {  	[sflag:s19] =	ssyncset.done $0x0  }
0x100: {  	[sflag:s19] =	ssyncadd.s32 $0xFFFFFE00  }
0x101: {  	_ =	swait.ge [sflag:s19], $0x200  }
0x102: {  	[sflag:s19] =	ssyncset.done $0x0  }
0x103: {  	[sflag:s19] =	ssyncadd.s32 $0xFFFFFE00  }
0x104: {  	_ =	swait.ge [sflag:s19], $0x2000  }
0x105: {  	[sflag:s19] =	ssyncset.done $0x0  }
0x106: {  	s18 =	simm.s32 $0x18880;
	[sflag:s19] =	ssyncadd.s32 $0xFFFFE000  }
0x107: {  	v1 =	vld [tilespmem:s18+$0x70]  }
0x108: {  	v2 =	vld [tilespmem:s18+$0xFFFFFF90]  }
0x109: {  	v3 =	vld [tilespmem:s18+$0xFFFFFFA0]  }
0x10a: {  	v4 =	vld [tilespmem:s18+$0xFFFFFFB0]  }
0x10b: {  	v5 =	vld [tilespmem:s18+$0xFFFFFFC0]  }
0x10c: {  	v6 =	vld [tilespmem:s18+$0xFFFFFFD0]  }
0x10d: {  	v7 =	vld [tilespmem:s18+$0xFFFFFFE0];
	_ =	sdelay $0x1  }
0x10e: {  	v10 =	vld [tilespmem:s18+$0xFFFFFFF0]  }
0x10f: {  	v11 =	vld [tilespmem:s18+$0x10];
	vm8 =	vgt.s32 v1, $0x187FF;
	vm0 =	vgt.s32 v2, $0x187FF;
	vm1 =	vgt.s32 v3, $0x187FF  }
0x110: {  	v12 =	vld [tilespmem:s18+$0x20];
	vm2 =	vgt.s32 v4, $0x187FF;
	vm3 =	vgt.s32 v5, $0x187FF;
	vm4 =	vgt.s32 v6, $0x187FF  }
0x111: {  	v13 =	vld [tilespmem:s18+$0x30];
	vm5 =	vgt.s32 v7, $0x187FF;
	v8 =	vsel vm8, $0xFFFE7800, v0;
	v9 =	vsel vm0, $0xFFFE7800, v0  }
0x112: {  	v1 =	vadd.s32 v1, v8;
	v2 =	vadd.s32 v2, v9;
	v8 =	vsel vm1, $0xFFFE7800, v0;
	v9 =	vld [tilespmem:s18+$0x0]  }
0x113: {  	v15 =	vld [tilespmem:s18+$0x50];
	vm6 =	vgt.s32 v10, $0x187FF;
	v3 =	vadd.s32 v3, v8;
	v8 =	vsel vm2, $0xFFFE7800, v0  }
0x114: {  	v16 =	vld [tilespmem:s18+$0x60];
	vm9 =	vgt.s32 v11, $0x187FF;
	v4 =	vadd.s32 v4, v8;
	v8 =	vsel vm3, $0xFFFE7800, v0  }
0x115: {  	v17 =	vld [tilespmem:s18+$0xFFFFFF80];
	vm10 =	vgt.s32 v12, $0x187FF;
	v5 =	vadd.s32 v5, v8;
	v8 =	vsel vm4, $0xFFFE7800, v0  }
0x116: {  	vm11 =	vgt.s32 v13, $0x187FF;
	v6 =	vadd.s32 v6, v8;
	v8 =	vsel vm5, $0xFFFE7800, v0  }
0x117: {  	v14 =	vld [tilespmem:s18+$0x40];
	v7 =	vadd.s32 v7, v8;
	v8 =	vsel vm6, $0xFFFE7800, v0;
	vm7 =	vgt.s32 v9, $0x187FF  }
0x118: {  	vm12 =	vgt.s32 v15, $0x187FF;
	v1 =	vld.idx.msk [tilespmem:v1+s2+$0x0], $0xffff;
	v8 =	vadd.s32 v10, v8;
	v10 =	vsel vm7, $0xFFFE7800, v0  }
0x119: {  	vm13 =	vgt.s32 v16, $0x187FF;
	v9 =	vadd.s32 v9, v10;
	v10 =	vsel vm9, $0xFFFE7800, v0  }
0x11a: {  	vm14 =	vgt.s32 v17, $0x187FF;
	v2 =	vld.idx.msk [tilespmem:v2+s2+$0x0], $0xffff;
	v10 =	vadd.s32 v11, v10;
	v11 =	vsel vm10, $0xFFFE7800, v0  }
0x11b: {  	v18 =	vsel vm8, $0x10, v0;
	v19 =	vld.idx.msk [tilespmem:v3+s2+$0x0], $0xffff;
	v11 =	vadd.s32 v12, v11;
	v12 =	vsel vm11, $0xFFFE7800, v0  }
0x11c: {  	vm8 =	vgt.s32 v14, $0x187FF;
	v25 =	vsel vm2, $0x10, v0;
	v3 =	vadd.s32 v13, v12;
	v13 =	vld.idx.msk [tilespmem:v4+s2+$0x0], $0xffff  }
0x11d: {  	v26 =	vsel vm3, $0x10, v0;
	v1 =	vshra.s32 v1, v18;
	v4 =	vsel vm8, $0xFFFE7800, v0;
	v18 =	vld.idx.msk [tilespmem:v5+s2+$0x0], $0xffff  }
0x11e: {  	v27 =	vsel vm4, $0x10, v0;
	v29 =	vsel vm6, $0x10, v0;
	v21 =	vadd.s32 v14, v4;
	v14 =	vld.idx.msk [tilespmem:v6+s2+$0x0], $0xffff  }
0x11f: {  	v20 =	vshll.u32 v1, $0x10;
	v1 =	vsel vm12, $0xFFFE7800, v0;
	v4 =	vsel vm14, $0xFFFE7800, v0;
	v24 =	vld.idx.msk [tilespmem:v8+s2+$0x0], $0xffff  }
0x120: {  	v32 =	vsel vm9, $0x10, v0;
	v22 =	vadd.s32 v15, v1;
	v15 =	vld.idx.msk [tilespmem:v7+s2+$0x0], $0xffff;
	v12 =	vadd.s32 v17, v4  }
0x121: {  	v30 =	vsel vm7, $0x10, v0;
	v5 =	vsel vm11, $0x10, v0;
	v8 =	vsel vm10, $0x10, v0;
	v28 =	vld.idx.msk [tilespmem:v9+s2+$0x0], $0xffff  }
0x122: {  	v1 =	vsel vm13, $0xFFFE7800, v0;
	v17 =	vsel vm1, $0x10, v0;
	v9 =	vsel vm5, $0x10, v0;
	v31 =	vld.idx.msk [tilespmem:v10+s2+$0x0], $0xffff  }
0x123: {  	v4 =	vsel vm8, $0x10, v0;
	v23 =	vadd.s32 v16, v1;
	v16 =	vsel vm0, $0x10, v0;
	v7 =	vld.idx.msk [tilespmem:v11+s2+$0x0], $0xffff  }
0x124: {  	v1 =	vsel vm14, $0x10, v0;
	v10 =	vshra.s32 v2, v16;
	v2 =	vsel vm13, $0x10, v0;
	v6 =	vld.idx.msk [tilespmem:v3+s2+$0x0], $0xffff  }
0x125: {  	s11 =	simm.s32 $0x1A880;
	v11 =	vshra.s32 v19, v17;
	v3 =	vsel vm12, $0x10, v0;
	v16 =	vshra.s32 v13, v25;
	v12 =	vld.idx.msk [tilespmem:v12+s2+$0x0], $0xffff  }
0x126: {  	[tilespmem:s11+$0x70] =	vst v20;
	v19 =	vshll.u32 v10, $0x10;
	v17 =	vshra.s32 v14, v27;
	v14 =	vshra.s32 v15, v9;
	v9 =	vld.idx.msk [tilespmem:v21+s2+$0x0], $0xffff  }
0x127: {  	v18 =	vshra.s32 v18, v26;
	v20 =	vshll.u32 v11, $0x10;
	[tilespmem:s11+$0xFFFFFF90] =	vst v19;
	v19 =	vshll.u32 v16, $0x10;
	v10 =	vld.idx.msk [tilespmem:v22+s2+$0x0], $0xffff  }
0x128: {  	s12 =	simm.s32 $0x18980;
	s18 =	simm.s32 $0x0;
	v15 =	vshra.s32 v24, v29;
	v13 =	vshra.s32 v28, v30;
	v16 =	vshra.s32 v31, v32;
	v11 =	vld.idx.msk [tilespmem:v23+s2+$0x0], $0xffff  }
.LBB2_5:
0x129: {  	v21 =	vld [tilespmem:s12+$0x70];
	s18 =	sadd.s32 $0x10, s18;
	[tilespmem:s11+$0xFFFFFFA0] =	vst v20;
	v18 =	vshll.u32 v18, $0x10;
	v17 =	vshll.u32 v17, $0x10;
	v7 =	vshra.s32 v7, v8  }
0x12a: {  	v14 =	vshll.u32 v14, $0x10;
	v15 =	vshll.u32 v15, $0x10;
	v5 =	vshra.s32 v6, v5;
	v8 =	vld [tilespmem:s12+$0xFFFFFF90];
	p0 =	slt.u32 s18, $0x1F0;
	[tilespmem:s11+$0xFFFFFFB0] =	vst v19  }
0x12b: {  	v1 =	vshra.s32 v12, v1;
	v12 =	vshll.u32 v13, $0x10;
	v13 =	vshll.u32 v16, $0x10;
	v6 =	vld [tilespmem:s12+$0xFFFFFFA0];
	[tilespmem:s11+$0xFFFFFFC0] =	vst v18  }
0x12c: {  	v7 =	vshll.u32 v7, $0x10;
	v1 =	vshll.u32 v1, $0x10;
	v4 =	vshra.s32 v9, v4;
	v16 =	vld [tilespmem:s12+$0xFFFFFFB0];
	[tilespmem:s11+$0xFFFFFFD0] =	vst v17  }
0x12d: {  	v4 =	vshll.u32 v4, $0x10;
	v3 =	vshra.s32 v10, v3;
	v9 =	vld [tilespmem:s12+$0xFFFFFFC0];
	[tilespmem:s11+$0xFFFFFF80] =	vst v1;
	v1 =	vshll.u32 v5, $0x10  }
0x12e: {  	v3 =	vshll.u32 v3, $0x10;
	v2 =	vshra.s32 v11, v2;
	v5 =	vld [tilespmem:s12+$0xFFFFFFD0];
	vm6 =	vgt.s32 v21, $0x187FF;
	[tilespmem:s11+$0xFFFFFFE0] =	vst v14  }
0x12f: {  	v2 =	vshll.u32 v2, $0x10;
	vm0 =	vgt.s32 v8, $0x187FF;
	v10 =	vld [tilespmem:s12+$0xFFFFFFE0];
	v11 =	vsel vm6, $0xFFFE7800, v0;
	[tilespmem:s11+$0xFFFFFFF0] =	vst v15  }
0x130: {  	v14 =	vsel vm0, $0xFFFE7800, v0;
	vm1 =	vgt.s32 v6, $0x187FF;
	v15 =	vld [tilespmem:s12+$0xFFFFFFF0];
	v11 =	vadd.s32 v21, v11;
	[tilespmem:s11+$0x0] =	vst v12  }
0x131: {  	v8 =	vadd.s32 v8, v14;
	v12 =	vsel vm1, $0xFFFE7800, v0;
	vm2 =	vgt.s32 v16, $0x187FF;
	v14 =	vld [tilespmem:s12+$0x0];
	[tilespmem:s11+$0x10] =	vst v13  }
0x132: {  	v6 =	vadd.s32 v6, v12;
	v12 =	vsel vm2, $0xFFFE7800, v0;
	vm3 =	vgt.s32 v9, $0x187FF;
	v13 =	vld [tilespmem:s12+$0x10];
	[tilespmem:s11+$0x20] =	vst v7  }
0x133: {  	v7 =	vadd.s32 v16, v12;
	v12 =	vsel vm3, $0xFFFE7800, v0;
	vm4 =	vgt.s32 v5, $0x187FF;
	v16 =	vld [tilespmem:s12+$0x20];
	[tilespmem:s11+$0x30] =	vst v1  }
0x134: {  	v1 =	vadd.s32 v9, v12;
	v9 =	vsel vm4, $0xFFFE7800, v0;
	vm5 =	vgt.s32 v10, $0x187FF;
	v12 =	vld [tilespmem:s12+$0x30];
	[tilespmem:s11+$0x40] =	vst v4  }
0x135: {  	v4 =	vadd.s32 v5, v9;
	v5 =	vsel vm5, $0xFFFE7800, v0;
	vm7 =	vgt.s32 v15, $0x187FF;
	v9 =	vld.idx.msk [tilespmem:v11+s2+$0x0], $0xffff;
	[tilespmem:s11+$0x50] =	vst v3  }
0x136: {  	v3 =	vadd.s32 v10, v5;
	v5 =	vsel vm7, $0xFFFE7800, v0;
	vm8 =	vgt.s32 v14, $0x187FF;
	v10 =	vld [tilespmem:s12+$0x40];
	[tilespmem:s11+$0x60] =	vst v2  }
0x137: {  	v2 =	vadd.s32 v15, v5;
	v5 =	vsel vm8, $0xFFFE7800, v0;
	vm9 =	vgt.s32 v13, $0x187FF;
	v11 =	vld [tilespmem:s12+$0x50]  }
0x138: {  	v5 =	vadd.s32 v14, v5;
	v14 =	vsel vm9, $0xFFFE7800, v0;
	vm10 =	vgt.s32 v16, $0x187FF;
	v15 =	vld [tilespmem:s12+$0x60]  }
0x139: {  	v17 =	vld [tilespmem:s12+$0xFFFFFF80];
	v13 =	vadd.s32 v13, v14;
	v14 =	vsel vm10, $0xFFFE7800, v0;
	vm11 =	vgt.s32 v12, $0x187FF  }
0x13a: {  	v18 =	vld.idx.msk [tilespmem:v8+s2+$0x0], $0xffff;
	v8 =	vadd.s32 v16, v14;
	v14 =	vsel vm11, $0xFFFE7800, v0;
	v16 =	vsel vm6, $0x10, v0  }
0x13b: {  	v19 =	vld.idx.msk [tilespmem:v6+s2+$0x0], $0xffff;
	v6 =	vadd.s32 v12, v14;
	vm6 =	vgt.s32 v10, $0x187FF;
	v9 =	vshra.s32 v9, v16  }
0x13c: {  	s11 =	sadd.s32 $0x100, s11;
	v14 =	vld.idx.msk [tilespmem:v7+s2+$0x0], $0xffff;
	v7 =	vsel vm6, $0xFFFE7800, v0;
	vm12 =	vgt.s32 v11, $0x187FF;
	v9 =	vshll.u32 v9, $0x10  }
0x13d: {  	v16 =	vld.idx.msk [tilespmem:v1+s2+$0x0], $0xffff;
	v10 =	vadd.s32 v10, v7;
	v1 =	vsel vm12, $0xFFFE7800, v0;
	vm13 =	vgt.s32 v15, $0x187FF;
	[tilespmem:s11+$0x70] =	vst v9  }
0x13e: {  	vm14 =	vgt.s32 v17, $0x187FF;
	v9 =	vld.idx.msk [tilespmem:v4+s2+$0x0], $0xffff;
	v11 =	vadd.s32 v11, v1;
	v4 =	vsel vm13, $0xFFFE7800, v0  }
0x13f: {  	v7 =	vsel vm14, $0xFFFE7800, v0;
	v1 =	vsel vm14, $0x10, v0;
	v20 =	vld.idx.msk [tilespmem:v3+s2+$0x0], $0xffff;
	v21 =	vadd.s32 v15, v4  }
0x140: {  	v15 =	vsel vm0, $0x10, v0;
	v12 =	vadd.s32 v17, v7;
	v17 =	vsel vm1, $0x10, v0;
	v22 =	vld.idx.msk [tilespmem:v2+s2+$0x0], $0xffff  }
0x141: {  	v23 =	vsel vm2, $0x10, v0;
	v24 =	vsel vm3, $0x10, v0;
	v25 =	vsel vm4, $0x10, v0;
	v26 =	vld.idx.msk [tilespmem:v5+s2+$0x0], $0xffff  }
0x142: {  	v27 =	vsel vm5, $0x10, v0;
	v28 =	vsel vm7, $0x10, v0;
	v29 =	vsel vm8, $0x10, v0;
	v30 =	vld.idx.msk [tilespmem:v13+s2+$0x0], $0xffff  }
0x143: {  	v31 =	vsel vm9, $0x10, v0;
	v5 =	vsel vm11, $0x10, v0;
	v7 =	vld.idx.msk [tilespmem:v8+s2+$0x0], $0xffff;
	v8 =	vsel vm10, $0x10, v0  }
.Ltmp2:
0x144: {  	v4 =	vsel vm6, $0x10, v0;
	v3 =	vsel vm12, $0x10, v0;
	v2 =	vsel vm13, $0x10, v0;
	v6 =	vld.idx.msk [tilespmem:v6+s2+$0x0], $0xffff;
	(pc) =	sbr.rel @p0 .LBB2_5-.Ltmp2, $4  }
0x145: {  	v19 =	vshra.s32 v19, v17;
	v23 =	vshra.s32 v14, v23;
	v13 =	vshra.s32 v18, v15;
	v12 =	vld.idx.msk [tilespmem:v12+s2+$0x0], $0xffff  }
0x146: {  	v18 =	vshra.s32 v16, v24;
	v17 =	vshra.s32 v9, v25;
	v14 =	vshra.s32 v20, v27;
	v9 =	vld.idx.msk [tilespmem:v10+s2+$0x0], $0xffff  }
0x147: {  	v16 =	vshll.u32 v13, $0x10;
	v15 =	vshra.s32 v22, v28;
	v13 =	vshra.s32 v26, v29;
	v10 =	vld.idx.msk [tilespmem:v11+s2+$0x0], $0xffff  }
0x148: {  	s12 =	sadd.s32 $0x100, s12;
	v20 =	vshll.u32 v19, $0x10;
	v19 =	vshll.u32 v23, $0x10;
	[tilespmem:s11+$0xFFFFFF90] =	vst v16;
	v16 =	vshra.s32 v30, v31;
	v11 =	vld.idx.msk [tilespmem:v21+s2+$0x0], $0xffff  }
0x149: {  	[tilespmem:s11+$0xFFFFFFA0] =	vst v20  }
0x14a: {  	v18 =	vshll.u32 v18, $0x10;
	[tilespmem:s11+$0xFFFFFFB0] =	vst v19  }
0x14b: {  	v17 =	vshll.u32 v17, $0x10;
	[tilespmem:s11+$0xFFFFFFC0] =	vst v18  }
0x14c: {  	v61 =	vshll.u32 v14, $0x10;
	[tilespmem:s11+$0xFFFFFFD0] =	vst v17  }
0x14d: {  	v62 =	vshll.u32 v13, $0x10;
	[tilespmem:s11+$0xFFFFFFE0] =	vst v61  }
0x14e: {  	v63 =	vshll.u32 v16, $0x10;
	v5 =	vshra.s32 v6, v5;
	[tilespmem:s11+$0x0] =	vst v62  }
0x14f: {  	v1 =	vshra.s32 v12, v1;
	[tilespmem:s11+$0x10] =	vst v63;
	v5 =	vshll.u32 v5, $0x10  }
0x150: {  	v1 =	vshll.u32 v1, $0x10;
	[tilespmem:s11+$0x30] =	vst v5  }
0x151: {  	[tilespmem:s11+$0xFFFFFF80] =	vst v1;
	v1 =	vshll.u32 v15, $0x10;
	v3 =	vshra.s32 v10, v3  }
0x152: {  	[tilespmem:s11+$0xFFFFFFF0] =	vst v1;
	v1 =	vshra.s32 v7, v8;
	v3 =	vshll.u32 v3, $0x10  }
0x153: {  	v4 =	vshra.s32 v9, v4;
	v1 =	vshll.u32 v1, $0x10;
	[tilespmem:s11+$0x50] =	vst v3  }
0x154: {  	v2 =	vshra.s32 v11, v2;
	[tilespmem:s11+$0x20] =	vst v1;
	v1 =	vshll.u32 v4, $0x10  }
0x155: {  	[tilespmem:s11+$0x40] =	vst v1;
	v1 =	vshll.u32 v2, $0x10  }
0x156: {  	[tilespmem:s11+$0x60] =	vst v1  }
0x157: {  	s11 =	rddreg [dreg:$0x14]  }
0x158: {  	s12 =	rddreg [dreg:$0x15]  }
0x159: {  	[hbm4b:s11+s20] =	stream.strided.scatter [tilespmem:s22], [sflag:$0x1], $0x200, s21, s20, $0x38;
	[tilespmem:$0x1C800] =	vst v63  }
0x15a: {  	s18 =	rddreg [dreg:$0x16]  }
0x15b: {  	[hbm4b:s12+s20] =	stream.strided.scatter [tilespmem:s23], [sflag:$0x1], $0x200, s21, s20, $0x38;
	[tilespmem:$0x1C800] =	vst v63  }
0x15c: {  	s12 =	rddreg [dreg:$0x17]  }
0x15d: {  	[hbm4b:s18+s20] =	stream.strided.scatter [tilespmem:s24], [sflag:$0x1], $0x200, s21, s20, $0x38;
	[tilespmem:$0x1C800] =	vst v63  }
0x15e: {  	s18 =	rddreg [dreg:$0x18]  }
0x15f: {  	[hbm4b:s12+s20] =	stream.strided.scatter [tilespmem:s25], [sflag:$0x1], $0x200, s21, s20, $0x38;
	[tilespmem:$0x1C800] =	vst v63  }
0x160: {  	s12 =	rddreg [dreg:$0x1a]  }
0x161: {  	[hbm4b:s18+s20] =	stream.strided.scatter [tilespmem:s26], [sflag:$0x1], $0x200, s21, s20, $0x38;
	[tilespmem:$0x1C800] =	vst v63  }
0x162: {  	s18 =	rddreg [dreg:$0x1c]  }
0x163: {  	[hbm4b:s12+s20] =	stream.strided.scatter [tilespmem:s28], [sflag:$0x1], $0x200, s21, s20, $0x38;
	[tilespmem:$0x1C800] =	vst v63  }
0x164: {  	s12 =	rddreg [dreg:$0x1d]  }
0x165: {  	[hbm4b:s18+s20] =	stream.strided.scatter [tilespmem:s29], [sflag:$0x1], $0x200, s21, s20, $0x38;
	[tilespmem:$0x1C800] =	vst v63  }
0x166: {  	s18 =	rddreg [dreg:$0x1e]  }
0x167: {  	[hbm4b:s12+s20] =	stream.strided.scatter [tilespmem:s30], [sflag:$0x1], $0x200, s21, s20, $0x38;
	[tilespmem:$0x1C800] =	vst v63  }
0x168: {  	s12 =	rddreg [dreg:$0x1f]  }
0x169: {  	[hbm4b:s18+s20] =	stream.strided.scatter [tilespmem:s31], [sflag:$0x1], $0x200, s21, s20, $0x38;
	[tilespmem:$0x1C800] =	vst v63  }
0x16a: {  	s18 =	sld [smem:$0x7F6]  }
0x16b: {  	[hbm4b:s12+s20] =	stream.strided.scatter [tilespmem:s0], [sflag:$0x1], $0x200, s21, s20, $0x38;
	[tilespmem:$0x1C800] =	vst v63  }
0x16c: {  	s12 =	sld [smem:$0x7F7]  }
0x16d: {  	[hbm4b:s18+s20] =	stream.strided.scatter [tilespmem:s1], [sflag:$0x1], $0x200, s21, s20, $0x38;
	[tilespmem:$0x1C800] =	vst v63  }
0x16e: {  	s18 =	sld [smem:$0x7F8]  }
0x16f: {  	[hbm4b:s12+s20] =	stream.strided.scatter [tilespmem:s5], [sflag:$0x1], $0x200, s21, s20, $0x38;
	[tilespmem:$0x1C800] =	vst v63  }
0x170: {  	s12 =	sld [smem:$0x7F9]  }
0x171: {  	[hbm4b:s18+s20] =	stream.strided.scatter [tilespmem:s6], [sflag:$0x1], $0x200, s21, s20, $0x38;
	[tilespmem:$0x1C800] =	vst v63  }
0x172: {  	s18 =	sld [smem:$0x7FA]  }
0x173: {  	[hbm4b:s12+s20] =	stream.strided.scatter [tilespmem:s7], [sflag:$0x1], $0x200, s21, s20, $0x38;
	[tilespmem:$0x1C800] =	vst v63  }
0x174: {  	s12 =	sld [smem:$0x7FB]  }
0x175: {  	[hbm4b:s18+s20] =	stream.strided.scatter [tilespmem:s8], [sflag:$0x1], $0x200, s21, s20, $0x38;
	[tilespmem:$0x1C800] =	vst v63  }
0x176: {  	_ = 	snop  }
0x177: {  	[hbm4b:s12+s20] =	stream.strided.scatter [tilespmem:s9], [sflag:$0x1], $0x200, s21, s20, $0x38;
	[tilespmem:$0x1C800] =	vst v63  }
0x178: {  	_ =	swait.ge [sflag:s19], $0x200  }
0x179: {  	[sflag:s19] =	ssyncset.done $0x0  }
0x17a: {  	[sflag:s19] =	ssyncadd.s32 $0xFFFFFE00  }
0x17b: {  	_ =	swait.ge [sflag:s19], $0x200  }
0x17c: {  	[sflag:s19] =	ssyncset.done $0x0  }
0x17d: {  	[sflag:s19] =	ssyncadd.s32 $0xFFFFFE00  }
0x17e: {  	_ =	swait.ge [sflag:s19], $0x200  }
0x17f: {  	[sflag:s19] =	ssyncset.done $0x0  }
0x180: {  	[sflag:s19] =	ssyncadd.s32 $0xFFFFFE00  }
0x181: {  	_ =	swait.ge [sflag:s19], $0x200  }
0x182: {  	[sflag:s19] =	ssyncset.done $0x0  }
0x183: {  	[sflag:s19] =	ssyncadd.s32 $0xFFFFFE00  }
0x184: {  	_ =	swait.ge [sflag:s19], $0x200  }
0x185: {  	[sflag:s19] =	ssyncset.done $0x0  }
0x186: {  	[sflag:s19] =	ssyncadd.s32 $0xFFFFFE00  }
0x187: {  	_ =	swait.ge [sflag:s19], $0x200  }
0x188: {  	[sflag:s19] =	ssyncset.done $0x0  }
0x189: {  	[sflag:s19] =	ssyncadd.s32 $0xFFFFFE00  }
0x18a: {  	_ =	swait.ge [sflag:s19], $0x200  }
0x18b: {  	[sflag:s19] =	ssyncset.done $0x0  }
0x18c: {  	[sflag:s19] =	ssyncadd.s32 $0xFFFFFE00  }
0x18d: {  	_ =	swait.ge [sflag:s19], $0x200  }
0x18e: {  	[sflag:s19] =	ssyncset.done $0x0  }
0x18f: {  	[sflag:s19] =	ssyncadd.s32 $0xFFFFFE00  }
0x190: {  	_ =	swait.ge [sflag:s19], $0x200  }
0x191: {  	[sflag:s19] =	ssyncset.done $0x0  }
0x192: {  	[sflag:s19] =	ssyncadd.s32 $0xFFFFFE00  }
0x193: {  	_ =	swait.ge [sflag:s19], $0x200  }
0x194: {  	[sflag:s19] =	ssyncset.done $0x0  }
0x195: {  	[sflag:s19] =	ssyncadd.s32 $0xFFFFFE00  }
0x196: {  	_ =	swait.ge [sflag:s19], $0x200  }
0x197: {  	[sflag:s19] =	ssyncset.done $0x0  }
0x198: {  	[sflag:s19] =	ssyncadd.s32 $0xFFFFFE00  }
0x199: {  	_ =	swait.ge [sflag:s19], $0x200  }
0x19a: {  	[sflag:s19] =	ssyncset.done $0x0  }
0x19b: {  	[sflag:s19] =	ssyncadd.s32 $0xFFFFFE00  }
0x19c: {  	_ =	swait.ge [sflag:s19], $0x200  }
0x19d: {  	[sflag:s19] =	ssyncset.done $0x0  }
0x19e: {  	[sflag:s19] =	ssyncadd.s32 $0xFFFFFE00  }
0x19f: {  	_ =	swait.ge [sflag:s19], $0x200  }
0x1a0: {  	[sflag:s19] =	ssyncset.done $0x0  }
0x1a1: {  	[sflag:s19] =	ssyncadd.s32 $0xFFFFFE00  }
0x1a2: {  	_ =	swait.ge [sflag:s19], $0x200  }
0x1a3: {  	[sflag:s19] =	ssyncset.done $0x0  }
0x1a4: {  	[sflag:s19] =	ssyncadd.s32 $0xFFFFFE00  }
0x1a5: {  	_ =	swait.ge [sflag:s19], $0x200  }
0x1a6: {  	s10 =	sadd.s32 $0x1, s10;
	s18 =	rddreg [dreg:$0x1b]  }
0x1a7: {  	p0 =	sne.s32 s10, s18  }
.Ltmp3:
0x1a8: {  	_ = 	snop;
	(pc) =	sbr.rel @p0 .LBB2_2-.Ltmp3, $3  }
0x1a9: {  	_ =	sdelay $0x1  }
0x1aa: {  	[sflag:s19] =	ssyncset.done $0x0  }
0x1ab: {  	[sflag:s19] =	ssyncadd.s32 $0xFFFFFE00  }
.LBB2_7:
0x1ac: {  	_ =	sfence.sel $0x180000  }
0x1ad: {  	[bflag:$0x0] =	sbarrier.arrive $0xFFFF  }
0x1ae: {  	_ =	strace $0x90000047  }
0x1af: {  	s0 =	stileid.u32;
	[bflag:$0x2] =	sbarrier.arrive $0xFFFF  }
0x1b0: {  	p0 =	sne.s32 s0, $0x0;
	s0 =	rddreg [dreg:$0x3]  }
0x1b1: {  	s0 =	sadd.s32 @!p0 $0x100000, s0  }
0x1b2: {  	[sflag:s0] =	ssyncadd.tile.s32 @!p0 $0x1;
	_ =	shalt  }
.Lfunc_end2:
_tile_overlayer_lowered:
.L_overlay_start_2:
0x1b3: {  	(tag) =	ssettag $0x2  }
0x1b4: {  	s0 =	rddreg [dreg:$0x0];
	s2 =	stileid.u32  }
0x1b5: {  	s1 =	rddreg [dreg:$0x1];
	p0 =	sne.s32 s2, $0x0  }
0x1b6: {  	s3 =	rddreg [dreg:$0x2];
	[bflag:$0x3] =	sbarrier.arrive $0xFFFF;
	s2 =	simm.s32 @!p0 $0x1C02  }
0x1b7: {  	[timem:s3], [sflag:s2] =	dma.local @!p0 [hbm:s0], s1  }
0x1b8: {  	s0 =	simm.s32 @!p0 $0x2  }
0x1b9: {  	_ =	swait.ge @!p0 [sflag:s0], s1  }
0x1ba: {  	s1 =	ssub.s32 @!p0 $0x0, s1;
	[sflag:s0] =	ssyncset.done @!p0 $0x0  }
0x1bb: {  	[sflag:s0] =	ssyncadd.s32 @!p0 s1  }
0x1bc: {  	[bflag:$0x3] =	sbarrier.arrive $0xFFFF  }
0x1bd: {  	_ =	shalt  }

</sc_bundles>
